<compile_context>
chip_gen: v7x
topology: tpu7x:2x2x1
jax: 0.10.2.dev20260603
libtpu: 0.0.44.dev20260713+nightly
codegen_flags: <defaults>
</compile_context>

<pallas_src>
import functools

import jax
import jax.numpy as jnp
from jax import lax
from jax.experimental import pallas as pl
from jax.experimental.pallas import tpu as pltpu
from jax.experimental.pallas import tpu_sc as plsc

_BATCH = 16384
_F_GMF = 16
_D_MLP = 64
_NC = 2
_NS = 16
_NW = _NC * _NS
_BPW = _BATCH // _NW
_CHUNK = 128
_NCHUNK = _BPW // _CHUNK


def _sc_gather_body(user_hbm, item_hbm, ug_hbm, ig_hbm, um_hbm, im_hbm,
                    out_gu, out_gi, out_mu, out_mi,
                    idx_u, idx_i, gu_v, gi_v, mu_v, mi_v, sem):
    wid = lax.axis_index("s") * _NC + lax.axis_index("c")
    base = wid * _BPW
    pltpu.sync_copy(user_hbm.at[pl.ds(base, _BPW)], idx_u)
    pltpu.sync_copy(item_hbm.at[pl.ds(base, _BPW)], idx_i)
    copies = []
    for j in range(_NCHUNK):
        s = pl.ds(j * _CHUNK, _CHUNK)
        copies.append(pltpu.async_copy(ug_hbm.at[idx_u.at[s]], gu_v.at[s], sem))
        copies.append(pltpu.async_copy(ig_hbm.at[idx_i.at[s]], gi_v.at[s], sem))
        copies.append(pltpu.async_copy(um_hbm.at[idx_u.at[s]], mu_v.at[s], sem))
        copies.append(pltpu.async_copy(im_hbm.at[idx_i.at[s]], mi_v.at[s], sem))
    for c in copies:
        c.wait()
    pltpu.sync_copy(gu_v, out_gu.at[pl.ds(base, _BPW)])
    pltpu.sync_copy(gi_v, out_gi.at[pl.ds(base, _BPW)])
    pltpu.sync_copy(mu_v, out_mu.at[pl.ds(base, _BPW)])
    pltpu.sync_copy(mi_v, out_mi.at[pl.ds(base, _BPW)])


_sc_gather = functools.partial(
    pl.kernel,
    mesh=plsc.VectorSubcoreMesh(core_axis_name="c", subcore_axis_name="s"),
    out_type=[
        jax.ShapeDtypeStruct((_BATCH, _F_GMF), jnp.float32),
        jax.ShapeDtypeStruct((_BATCH, _F_GMF), jnp.float32),
        jax.ShapeDtypeStruct((_BATCH, _D_MLP), jnp.float32),
        jax.ShapeDtypeStruct((_BATCH, _D_MLP), jnp.float32),
    ],
    scratch_types=[
        pltpu.VMEM((_BPW,), jnp.int32),
        pltpu.VMEM((_BPW,), jnp.int32),
        pltpu.VMEM((_BPW, _F_GMF), jnp.float32),
        pltpu.VMEM((_BPW, _F_GMF), jnp.float32),
        pltpu.VMEM((_BPW, _D_MLP), jnp.float32),
        pltpu.VMEM((_BPW, _D_MLP), jnp.float32),
        pltpu.SemaphoreType.DMA,
    ],
    compiler_params=pltpu.CompilerParams(use_tc_tiling_on_sc=False),
)(_sc_gather_body)


_BB = 2048


def _dense_body(gu_ref, gi_ref, mu_ref, mi_ref,
                w1u_ref, w1i_ref, b1_ref, w2_ref, b2_ref, w3_ref, b3_ref,
                wnm_ref, wng_ref, bn_ref, out_ref):
    h = jnp.dot(mu_ref[...], w1u_ref[...], preferred_element_type=jnp.float32)
    h = h + jnp.dot(mi_ref[...], w1i_ref[...], preferred_element_type=jnp.float32)
    h = jnp.maximum(h + b1_ref[...], 0.0)
    h = jnp.maximum(
        jnp.dot(h, w2_ref[...], preferred_element_type=jnp.float32) + b2_ref[...], 0.0)
    m = jnp.maximum(
        jnp.dot(h, w3_ref[...], preferred_element_type=jnp.float32) + b3_ref[...], 0.0)
    g = gu_ref[...] * gi_ref[...]
    s = (jnp.sum(m * wnm_ref[...], axis=1, keepdims=True)
         + jnp.sum(g * wng_ref[...], axis=1, keepdims=True) + bn_ref[0, 0])
    out_ref[...] = 1.0 / (1.0 + jnp.exp(-s))


def _dense(gu, gi, mu, mi, w1u, w1i, b1, w2, b2, w3, b3, wnm, wng, bn):
    grid = _BATCH // _BB
    row_spec_g = pl.BlockSpec((_BB, _F_GMF), lambda i: (i, 0))
    row_spec_m = pl.BlockSpec((_BB, _D_MLP), lambda i: (i, 0))

    def full(x):
        return pl.BlockSpec(x.shape, lambda i: tuple(0 for _ in x.shape))

    return pl.pallas_call(
        _dense_body,
        grid=(grid,),
        in_specs=[row_spec_g, row_spec_g, row_spec_m, row_spec_m,
                  full(w1u), full(w1i), full(b1), full(w2), full(b2),
                  full(w3), full(b3), full(wnm), full(wng), full(bn)],
        out_specs=pl.BlockSpec((_BB, 1), lambda i: (i, 0)),
        out_shape=jax.ShapeDtypeStruct((_BATCH, 1), jnp.float32),
    )(gu, gi, mu, mi, w1u, w1i, b1, w2, b2, w3, b3, wnm, wng, bn)


@jax.jit
def kernel(user, item, user_embed_GMF, item_embed_GMF, user_embed_MLP,
           item_embed_MLP, W1, b1, W2, b2, W3, b3, Wn, bn):
    user = user.astype(jnp.int32)
    item = item.astype(jnp.int32)
    gu, gi, mu, mi = _sc_gather(user, item, user_embed_GMF, item_embed_GMF,
                                user_embed_MLP, item_embed_MLP)
    w1u = W1[:, :_D_MLP].T
    w1i = W1[:, _D_MLP:].T
    w2 = W2.T
    w3 = W3.T
    wnm = Wn[:, :_F_GMF]
    wng = Wn[:, _F_GMF:]
    return _dense(gu, gi, mu, mi, w1u, w1i, b1.reshape(1, -1), w2,
                  b2.reshape(1, -1), w3, b3.reshape(1, -1), wnm, wng,
                  bn.reshape(1, 1))

# --- scband reference (transcript-rebuilt; emitter-appended) ---
"""Pipeline reference for scband-ncf-8976481648904 (READ-ONLY COPY).

The authoritative reference and input builder live on the scoring server;
editing this copy changes nothing except your own understanding.
"""

import jax, jax.numpy as jnp
import numpy as np

NUM_USERS = 1000000
NUM_ITEMS = 1000000
FACTOR = 16
NUM_LAYERS = 3
BATCH = 16384
D_MLP = FACTOR * 2 ** (NUM_LAYERS - 1)  # 64


def setup_inputs(seed: int = 0) -> dict:
    key = jax.random.key(seed)
    ks = jax.random.split(key, 16)
    user = jax.random.randint(ks[0], (BATCH,), 0, NUM_USERS)
    item = jax.random.randint(ks[1], (BATCH,), 0, NUM_ITEMS)
    # embedding tables (init std=0.01 as in the torch module)
    user_embed_GMF = 0.01 * jax.random.normal(ks[2], (NUM_USERS, FACTOR), dtype=jnp.float32)
    item_embed_GMF = 0.01 * jax.random.normal(ks[3], (NUM_ITEMS, FACTOR), dtype=jnp.float32)
    user_embed_MLP = 0.01 * jax.random.normal(ks[4], (NUM_USERS, D_MLP), dtype=jnp.float32)
    item_embed_MLP = 0.01 * jax.random.normal(ks[5], (NUM_ITEMS, D_MLP), dtype=jnp.float32)
    # MLP tower: Linear(128,64) -> ReLU -> Linear(64,32) -> ReLU -> Linear(32,16) -> ReLU
    def xavier(k, fan_out, fan_in):
        lim = float(np.sqrt(6.0 / (fan_in + fan_out)))
        return jax.random.uniform(k, (fan_out, fan_in), dtype=jnp.float32, minval=-lim, maxval=lim)
    W1 = xavier(ks[6], 2 * FACTOR * 2, FACTOR * 2 ** NUM_LAYERS // 2)  # placeholder, corrected below
    W1 = xavier(ks[6], FACTOR * 2 ** (NUM_LAYERS - 1), FACTOR * 2 ** NUM_LAYERS)  # (64, 128)
    b1 = jnp.zeros((FACTOR * 2 ** (NUM_LAYERS - 1),), dtype=jnp.float32)
    W2 = xavier(ks[7], FACTOR * 2 ** 1, FACTOR * 2 ** 2)  # (32, 64)
    b2 = jnp.zeros((FACTOR * 2 ** 1,), dtype=jnp.float32)
    W3 = xavier(ks[8], FACTOR, FACTOR * 2 ** 1)  # (16, 32)
    b3 = jnp.zeros((FACTOR,), dtype=jnp.float32)
    # NeuMF head: Linear(2*factor_num, 1)
    Wn = xavier(ks[9], 1, 2 * FACTOR)
    bn = jnp.zeros((1,), dtype=jnp.float32)
    return {
        "user": user, "item": item,
        "user_embed_GMF": user_embed_GMF, "item_embed_GMF": item_embed_GMF,
        "user_embed_MLP": user_embed_MLP, "item_embed_MLP": item_embed_MLP,
        "W1": W1, "b1": b1, "W2": W2, "b2": b2, "W3": W3, "b3": b3,
        "Wn": Wn, "bn": bn,
    }


def reference(user, item, user_embed_GMF, item_embed_GMF, user_embed_MLP, item_embed_MLP,
              W1, b1, W2, b2, W3, b3, Wn, bn):
    # GMF branch: elementwise product of embeddings
    gmf_u = jnp.take(user_embed_GMF, user, axis=0)
    gmf_i = jnp.take(item_embed_GMF, item, axis=0)
    GMF_output = gmf_u * gmf_i
    # MLP branch (dropout is identity in eval mode)
    mlp_u = jnp.take(user_embed_MLP, user, axis=0)
    mlp_i = jnp.take(item_embed_MLP, item, axis=0)
    h = jnp.concatenate([mlp_u, mlp_i], axis=1)
    h = jax.nn.relu(h @ W1.T + b1)
    h = jax.nn.relu(h @ W2.T + b2)
    MLP_output = jax.nn.relu(h @ W3.T + b3)
    # NeuMF head on concatenated (MLP_output, GMF_output)
    fused = jnp.concatenate([MLP_output, GMF_output], axis=1)
    out = fused @ Wn.T + bn
    return jax.nn.sigmoid(out)

if __name__ == "__main__":
    import jax
    _d = setup_inputs()
    print(jax.jit(kernel)(*tuple(_d.values())))

</pallas_src>

<mosaic_0001>
#map = affine_map<(d0, d1) -> (0)>
#map1 = affine_map<(d0, d1) -> (0, 0)>
module attributes {stable_mosaic.version = 14 : i64} {
  func.func @_sc_gather_body(%arg0: i32, %arg1: i32, %arg2: memref<16384xi32, #tpu.memory_space<hbm>>, %arg3: memref<16384xi32, #tpu.memory_space<hbm>>, %arg4: memref<1000000x16xf32, #tpu.memory_space<hbm>>, %arg5: memref<1000000x16xf32, #tpu.memory_space<hbm>>, %arg6: memref<1000000x64xf32, #tpu.memory_space<hbm>>, %arg7: memref<1000000x64xf32, #tpu.memory_space<hbm>>, %arg8: memref<16384x16xf32, #tpu.memory_space<hbm>>, %arg9: memref<16384x16xf32, #tpu.memory_space<hbm>>, %arg10: memref<16384x64xf32, #tpu.memory_space<hbm>>, %arg11: memref<16384x64xf32, #tpu.memory_space<hbm>>, %arg12: memref<512xi32, #tpu.memory_space<vmem>>, %arg13: memref<512xi32, #tpu.memory_space<vmem>>, %arg14: memref<512x16xf32, #tpu.memory_space<vmem>>, %arg15: memref<512x16xf32, #tpu.memory_space<vmem>>, %arg16: memref<512x64xf32, #tpu.memory_space<vmem>>, %arg17: memref<512x64xf32, #tpu.memory_space<vmem>>, %arg18: memref<!tpu.dma_semaphore, #tpu.memory_space<semaphore_mem>>) attributes {dimension_semantics = [#tpu.dimension_semantics<core_parallel>, #tpu.dimension_semantics<subcore_parallel>], iteration_bounds = array<i64: 2, 16>, scalar_prefetch = 0 : i64, scratch_operands = 7 : i64, tpu.core_type = #tpu.core_type<sc_vector_subcore>, window_params = [{transform_indices = #map}, {transform_indices = #map}, {transform_indices = #map1}, {transform_indices = #map1}, {transform_indices = #map1}, {transform_indices = #map1}, {transform_indices = #map1}, {transform_indices = #map1}, {transform_indices = #map1}, {transform_indices = #map1}]} {
    %mul3A = arith.constant 2 : i32
    %mul3A_0 = arith.muli %arg1, %mul3A : i32
    %add3A = arith.addi %mul3A_0, %arg0 : i32
    %mul3A_1 = arith.constant 512 : i32
    %mul3A_2 = arith.muli %add3A, %mul3A_1 : i32
    "tpu.region"() ({
      %run_scoped3A = tpu.sem_alloc : memref<!tpu.dma_semaphore, #tpu.memory_space<semaphore_mem>>
      %dma_start3A_257 = tpu.memref_slice %arg2[%mul3A_2] : memref<16384xi32, #tpu.memory_space<hbm>> -> memref<512xi32, #tpu.memory_space<hbm>>
      %dma_start3A_258 = tpu.memref_slice %arg2[%mul3A_2] : memref<16384xi32, #tpu.memory_space<hbm>> -> memref<512xi32, #tpu.memory_space<hbm>>
      tpu.enqueue_dma source(%dma_start3A_258 : memref<512xi32, #tpu.memory_space<hbm>>) target(%arg12 : memref<512xi32, #tpu.memory_space<vmem>>) target_semaphore(%run_scoped3A : memref<!tpu.dma_semaphore, #tpu.memory_space<semaphore_mem>>)
      %dma_wait3A_259 = tpu.memref_slice %arg2[%mul3A_2] : memref<16384xi32, #tpu.memory_space<hbm>> -> memref<512xi32, #tpu.memory_space<hbm>>
      %dma_wait3A_260 = tpu.memref_slice %arg2[%mul3A_2] : memref<16384xi32, #tpu.memory_space<hbm>> -> memref<512xi32, #tpu.memory_space<hbm>>
      tpu.wait_dma2 semaphore(%run_scoped3A : memref<!tpu.dma_semaphore, #tpu.memory_space<semaphore_mem>>) src(%dma_wait3A_260 : memref<512xi32, #tpu.memory_space<hbm>>) dst(%arg12 : memref<512xi32, #tpu.memory_space<vmem>>)
      tpu.yield
    }) : () -> ()
    "tpu.region"() ({
      %run_scoped3A = tpu.sem_alloc : memref<!tpu.dma_semaphore, #tpu.memory_space<semaphore_mem>>
      %dma_start3A_257 = tpu.memref_slice %arg3[%mul3A_2] : memref<16384xi32, #tpu.memory_space<hbm>> -> memref<512xi32, #tpu.memory_space<hbm>>
      %dma_start3A_258 = tpu.memref_slice %arg3[%mul3A_2] : memref<16384xi32, #tpu.memory_space<hbm>> -> memref<512xi32, #tpu.memory_space<hbm>>
      tpu.enqueue_dma source(%dma_start3A_258 : memref<512xi32, #tpu.memory_space<hbm>>) target(%arg13 : memref<512xi32, #tpu.memory_space<vmem>>) target_semaphore(%run_scoped3A : memref<!tpu.dma_semaphore, #tpu.memory_space<semaphore_mem>>)
      %dma_wait3A_259 = tpu.memref_slice %arg3[%mul3A_2] : memref<16384xi32, #tpu.memory_space<hbm>> -> memref<512xi32, #tpu.memory_space<hbm>>
      %dma_wait3A_260 = tpu.memref_slice %arg3[%mul3A_2] : memref<16384xi32, #tpu.memory_space<hbm>> -> memref<512xi32, #tpu.memory_space<hbm>>
      tpu.wait_dma2 semaphore(%run_scoped3A : memref<!tpu.dma_semaphore, #tpu.memory_space<semaphore_mem>>) src(%dma_wait3A_260 : memref<512xi32, #tpu.memory_space<hbm>>) dst(%arg13 : memref<512xi32, #tpu.memory_space<vmem>>)
      tpu.yield
    }) : () -> ()
    %dma_start3A = arith.constant 0 : i32
    %dma_start3A_3 = arith.constant 0 : i32
    %dma_start3A_4 = tpu.memref_slice %arg14[%dma_start3A, %dma_start3A_3] : memref<512x16xf32, #tpu.memory_space<vmem>> -> memref<128x16xf32, #tpu.memory_space<vmem>>
    %dma_start3A_5 = arith.constant 0 : i32
    %dma_start3A_6 = tpu.memref_slice %arg12[%dma_start3A_5] : memref<512xi32, #tpu.memory_space<vmem>> -> memref<128xi32, #tpu.memory_space<vmem>>
    %dma_start3A_7 = arith.constant 0 : i32
    %dma_start3A_8 = arith.constant 0 : i32
    %dma_start3A_9 = tpu.memref_slice %arg4[%dma_start3A_7, %dma_start3A_8] : memref<1000000x16xf32, #tpu.memory_space<hbm>> -> memref<1000000x16xf32, #tpu.memory_space<hbm>>
    tpu.enqueue_indirect_dma source(%dma_start3A_9 : memref<1000000x16xf32, #tpu.memory_space<hbm>>) target(%dma_start3A_4 : memref<128x16xf32, #tpu.memory_space<vmem>>) offsets(%dma_start3A_6 : memref<128xi32, #tpu.memory_space<vmem>>) semaphore(%arg18 : memref<!tpu.dma_semaphore, #tpu.memory_space<semaphore_mem>>)
    %dma_start3A_10 = arith.constant 0 : i32
    %dma_start3A_11 = arith.constant 0 : i32
    %dma_start3A_12 = tpu.memref_slice %arg15[%dma_start3A_10, %dma_start3A_11] : memref<512x16xf32, #tpu.memory_space<vmem>> -> memref<128x16xf32, #tpu.memory_space<vmem>>
    %dma_start3A_13 = arith.constant 0 : i32
    %dma_start3A_14 = tpu.memref_slice %arg13[%dma_start3A_13] : memref<512xi32, #tpu.memory_space<vmem>> -> memref<128xi32, #tpu.memory_space<vmem>>
    %dma_start3A_15 = arith.constant 0 : i32
    %dma_start3A_16 = arith.constant 0 : i32
    %dma_start3A_17 = tpu.memref_slice %arg5[%dma_start3A_15, %dma_start3A_16] : memref<1000000x16xf32, #tpu.memory_space<hbm>> -> memref<1000000x16xf32, #tpu.memory_space<hbm>>
    tpu.enqueue_indirect_dma source(%dma_start3A_17 : memref<1000000x16xf32, #tpu.memory_space<hbm>>) target(%dma_start3A_12 : memref<128x16xf32, #tpu.memory_space<vmem>>) offsets(%dma_start3A_14 : memref<128xi32, #tpu.memory_space<vmem>>) semaphore(%arg18 : memref<!tpu.dma_semaphore, #tpu.memory_space<semaphore_mem>>)
    %dma_start3A_18 = arith.constant 0 : i32
    %dma_start3A_19 = arith.constant 0 : i32
    %dma_start3A_20 = tpu.memref_slice %arg16[%dma_start3A_18, %dma_start3A_19] : memref<512x64xf32, #tpu.memory_space<vmem>> -> memref<128x64xf32, #tpu.memory_space<vmem>>
    %dma_start3A_21 = arith.constant 0 : i32
    %dma_start3A_22 = tpu.memref_slice %arg12[%dma_start3A_21] : memref<512xi32, #tpu.memory_space<vmem>> -> memref<128xi32, #tpu.memory_space<vmem>>
    %dma_start3A_23 = arith.constant 0 : i32
    %dma_start3A_24 = arith.constant 0 : i32
    %dma_start3A_25 = tpu.memref_slice %arg6[%dma_start3A_23, %dma_start3A_24] : memref<1000000x64xf32, #tpu.memory_space<hbm>> -> memref<1000000x64xf32, #tpu.memory_space<hbm>>
    tpu.enqueue_indirect_dma source(%dma_start3A_25 : memref<1000000x64xf32, #tpu.memory_space<hbm>>) target(%dma_start3A_20 : memref<128x64xf32, #tpu.memory_space<vmem>>) offsets(%dma_start3A_22 : memref<128xi32, #tpu.memory_space<vmem>>) semaphore(%arg18 : memref<!tpu.dma_semaphore, #tpu.memory_space<semaphore_mem>>)
    %dma_start3A_26 = arith.constant 0 : i32
    %dma_start3A_27 = arith.constant 0 : i32
    %dma_start3A_28 = tpu.memref_slice %arg17[%dma_start3A_26, %dma_start3A_27] : memref<512x64xf32, #tpu.memory_space<vmem>> -> memref<128x64xf32, #tpu.memory_space<vmem>>
    %dma_start3A_29 = arith.constant 0 : i32
    %dma_start3A_30 = tpu.memref_slice %arg13[%dma_start3A_29] : memref<512xi32, #tpu.memory_space<vmem>> -> memref<128xi32, #tpu.memory_space<vmem>>
    %dma_start3A_31 = arith.constant 0 : i32
    %dma_start3A_32 = arith.constant 0 : i32
    %dma_start3A_33 = tpu.memref_slice %arg7[%dma_start3A_31, %dma_start3A_32] : memref<1000000x64xf32, #tpu.memory_space<hbm>> -> memref<1000000x64xf32, #tpu.memory_space<hbm>>
    tpu.enqueue_indirect_dma source(%dma_start3A_33 : memref<1000000x64xf32, #tpu.memory_space<hbm>>) target(%dma_start3A_28 : memref<128x64xf32, #tpu.memory_space<vmem>>) offsets(%dma_start3A_30 : memref<128xi32, #tpu.memory_space<vmem>>) semaphore(%arg18 : memref<!tpu.dma_semaphore, #tpu.memory_space<semaphore_mem>>)
    %dma_start3A_34 = arith.constant 128 : i32
    %dma_start3A_35 = arith.constant 0 : i32
    %dma_start3A_36 = tpu.memref_slice %arg14[%dma_start3A_34, %dma_start3A_35] : memref<512x16xf32, #tpu.memory_space<vmem>> -> memref<128x16xf32, #tpu.memory_space<vmem>>
    %dma_start3A_37 = arith.constant 128 : i32
    %dma_start3A_38 = tpu.memref_slice %arg12[%dma_start3A_37] : memref<512xi32, #tpu.memory_space<vmem>> -> memref<128xi32, #tpu.memory_space<vmem>>
    %dma_start3A_39 = arith.constant 0 : i32
    %dma_start3A_40 = arith.constant 0 : i32
    %dma_start3A_41 = tpu.memref_slice %arg4[%dma_start3A_39, %dma_start3A_40] : memref<1000000x16xf32, #tpu.memory_space<hbm>> -> memref<1000000x16xf32, #tpu.memory_space<hbm>>
    tpu.enqueue_indirect_dma source(%dma_start3A_41 : memref<1000000x16xf32, #tpu.memory_space<hbm>>) target(%dma_start3A_36 : memref<128x16xf32, #tpu.memory_space<vmem>>) offsets(%dma_start3A_38 : memref<128xi32, #tpu.memory_space<vmem>>) semaphore(%arg18 : memref<!tpu.dma_semaphore, #tpu.memory_space<semaphore_mem>>)
    %dma_start3A_42 = arith.constant 128 : i32
    %dma_start3A_43 = arith.constant 0 : i32
    %dma_start3A_44 = tpu.memref_slice %arg15[%dma_start3A_42, %dma_start3A_43] : memref<512x16xf32, #tpu.memory_space<vmem>> -> memref<128x16xf32, #tpu.memory_space<vmem>>
    %dma_start3A_45 = arith.constant 128 : i32
    %dma_start3A_46 = tpu.memref_slice %arg13[%dma_start3A_45] : memref<512xi32, #tpu.memory_space<vmem>> -> memref<128xi32, #tpu.memory_space<vmem>>
    %dma_start3A_47 = arith.constant 0 : i32
    %dma_start3A_48 = arith.constant 0 : i32
    %dma_start3A_49 = tpu.memref_slice %arg5[%dma_start3A_47, %dma_start3A_48] : memref<1000000x16xf32, #tpu.memory_space<hbm>> -> memref<1000000x16xf32, #tpu.memory_space<hbm>>
    tpu.enqueue_indirect_dma source(%dma_start3A_49 : memref<1000000x16xf32, #tpu.memory_space<hbm>>) target(%dma_start3A_44 : memref<128x16xf32, #tpu.memory_space<vmem>>) offsets(%dma_start3A_46 : memref<128xi32, #tpu.memory_space<vmem>>) semaphore(%arg18 : memref<!tpu.dma_semaphore, #tpu.memory_space<semaphore_mem>>)
    %dma_start3A_50 = arith.constant 128 : i32
    %dma_start3A_51 = arith.constant 0 : i32
    %dma_start3A_52 = tpu.memref_slice %arg16[%dma_start3A_50, %dma_start3A_51] : memref<512x64xf32, #tpu.memory_space<vmem>> -> memref<128x64xf32, #tpu.memory_space<vmem>>
    %dma_start3A_53 = arith.constant 128 : i32
    %dma_start3A_54 = tpu.memref_slice %arg12[%dma_start3A_53] : memref<512xi32, #tpu.memory_space<vmem>> -> memref<128xi32, #tpu.memory_space<vmem>>
    %dma_start3A_55 = arith.constant 0 : i32
    %dma_start3A_56 = arith.constant 0 : i32
    %dma_start3A_57 = tpu.memref_slice %arg6[%dma_start3A_55, %dma_start3A_56] : memref<1000000x64xf32, #tpu.memory_space<hbm>> -> memref<1000000x64xf32, #tpu.memory_space<hbm>>
    tpu.enqueue_indirect_dma source(%dma_start3A_57 : memref<1000000x64xf32, #tpu.memory_space<hbm>>) target(%dma_start3A_52 : memref<128x64xf32, #tpu.memory_space<vmem>>) offsets(%dma_start3A_54 : memref<128xi32, #tpu.memory_space<vmem>>) semaphore(%arg18 : memref<!tpu.dma_semaphore, #tpu.memory_space<semaphore_mem>>)
    %dma_start3A_58 = arith.constant 128 : i32
    %dma_start3A_59 = arith.constant 0 : i32
    %dma_start3A_60 = tpu.memref_slice %arg17[%dma_start3A_58, %dma_start3A_59] : memref<512x64xf32, #tpu.memory_space<vmem>> -> memref<128x64xf32, #tpu.memory_space<vmem>>
    %dma_start3A_61 = arith.constant 128 : i32
    %dma_start3A_62 = tpu.memref_slice %arg13[%dma_start3A_61] : memref<512xi32, #tpu.memory_space<vmem>> -> memref<128xi32, #tpu.memory_space<vmem>>
    %dma_start3A_63 = arith.constant 0 : i32
    %dma_start3A_64 = arith.constant 0 : i32
    %dma_start3A_65 = tpu.memref_slice %arg7[%dma_start3A_63, %dma_start3A_64] : memref<1000000x64xf32, #tpu.memory_space<hbm>> -> memref<1000000x64xf32, #tpu.memory_space<hbm>>
    tpu.enqueue_indirect_dma source(%dma_start3A_65 : memref<1000000x64xf32, #tpu.memory_space<hbm>>) target(%dma_start3A_60 : memref<128x64xf32, #tpu.memory_space<vmem>>) offsets(%dma_start3A_62 : memref<128xi32, #tpu.memory_space<vmem>>) semaphore(%arg18 : memref<!tpu.dma_semaphore, #tpu.memory_space<semaphore_mem>>)
    %dma_start3A_66 = arith.constant 256 : i32
    %dma_start3A_67 = arith.constant 0 : i32
    %dma_start3A_68 = tpu.memref_slice %arg14[%dma_start3A_66, %dma_start3A_67] : memref<512x16xf32, #tpu.memory_space<vmem>> -> memref<128x16xf32, #tpu.memory_space<vmem>>
    %dma_start3A_69 = arith.constant 256 : i32
    %dma_start3A_70 = tpu.memref_slice %arg12[%dma_start3A_69] : memref<512xi32, #tpu.memory_space<vmem>> -> memref<128xi32, #tpu.memory_space<vmem>>
    %dma_start3A_71 = arith.constant 0 : i32
    %dma_start3A_72 = arith.constant 0 : i32
    %dma_start3A_73 = tpu.memref_slice %arg4[%dma_start3A_71, %dma_start3A_72] : memref<1000000x16xf32, #tpu.memory_space<hbm>> -> memref<1000000x16xf32, #tpu.memory_space<hbm>>
    tpu.enqueue_indirect_dma source(%dma_start3A_73 : memref<1000000x16xf32, #tpu.memory_space<hbm>>) target(%dma_start3A_68 : memref<128x16xf32, #tpu.memory_space<vmem>>) offsets(%dma_start3A_70 : memref<128xi32, #tpu.memory_space<vmem>>) semaphore(%arg18 : memref<!tpu.dma_semaphore, #tpu.memory_space<semaphore_mem>>)
    %dma_start3A_74 = arith.constant 256 : i32
    %dma_start3A_75 = arith.constant 0 : i32
    %dma_start3A_76 = tpu.memref_slice %arg15[%dma_start3A_74, %dma_start3A_75] : memref<512x16xf32, #tpu.memory_space<vmem>> -> memref<128x16xf32, #tpu.memory_space<vmem>>
    %dma_start3A_77 = arith.constant 256 : i32
    %dma_start3A_78 = tpu.memref_slice %arg13[%dma_start3A_77] : memref<512xi32, #tpu.memory_space<vmem>> -> memref<128xi32, #tpu.memory_space<vmem>>
    %dma_start3A_79 = arith.constant 0 : i32
    %dma_start3A_80 = arith.constant 0 : i32
    %dma_start3A_81 = tpu.memref_slice %arg5[%dma_start3A_79, %dma_start3A_80] : memref<1000000x16xf32, #tpu.memory_space<hbm>> -> memref<1000000x16xf32, #tpu.memory_space<hbm>>
    tpu.enqueue_indirect_dma source(%dma_start3A_81 : memref<1000000x16xf32, #tpu.memory_space<hbm>>) target(%dma_start3A_76 : memref<128x16xf32, #tpu.memory_space<vmem>>) offsets(%dma_start3A_78 : memref<128xi32, #tpu.memory_space<vmem>>) semaphore(%arg18 : memref<!tpu.dma_semaphore, #tpu.memory_space<semaphore_mem>>)
    %dma_start3A_82 = arith.constant 256 : i32
    %dma_start3A_83 = arith.constant 0 : i32
    %dma_start3A_84 = tpu.memref_slice %arg16[%dma_start3A_82, %dma_start3A_83] : memref<512x64xf32, #tpu.memory_space<vmem>> -> memref<128x64xf32, #tpu.memory_space<vmem>>
    %dma_start3A_85 = arith.constant 256 : i32
    %dma_start3A_86 = tpu.memref_slice %arg12[%dma_start3A_85] : memref<512xi32, #tpu.memory_space<vmem>> -> memref<128xi32, #tpu.memory_space<vmem>>
    %dma_start3A_87 = arith.constant 0 : i32
    %dma_start3A_88 = arith.constant 0 : i32
    %dma_start3A_89 = tpu.memref_slice %arg6[%dma_start3A_87, %dma_start3A_88] : memref<1000000x64xf32, #tpu.memory_space<hbm>> -> memref<1000000x64xf32, #tpu.memory_space<hbm>>
    tpu.enqueue_indirect_dma source(%dma_start3A_89 : memref<1000000x64xf32, #tpu.memory_space<hbm>>) target(%dma_start3A_84 : memref<128x64xf32, #tpu.memory_space<vmem>>) offsets(%dma_start3A_86 : memref<128xi32, #tpu.memory_space<vmem>>) semaphore(%arg18 : memref<!tpu.dma_semaphore, #tpu.memory_space<semaphore_mem>>)
    %dma_start3A_90 = arith.constant 256 : i32
    %dma_start3A_91 = arith.constant 0 : i32
    %dma_start3A_92 = tpu.memref_slice %arg17[%dma_start3A_90, %dma_start3A_91] : memref<512x64xf32, #tpu.memory_space<vmem>> -> memref<128x64xf32, #tpu.memory_space<vmem>>
    %dma_start3A_93 = arith.constant 256 : i32
    %dma_start3A_94 = tpu.memref_slice %arg13[%dma_start3A_93] : memref<512xi32, #tpu.memory_space<vmem>> -> memref<128xi32, #tpu.memory_space<vmem>>
    %dma_start3A_95 = arith.constant 0 : i32
    %dma_start3A_96 = arith.constant 0 : i32
    %dma_start3A_97 = tpu.memref_slice %arg7[%dma_start3A_95, %dma_start3A_96] : memref<1000000x64xf32, #tpu.memory_space<hbm>> -> memref<1000000x64xf32, #tpu.memory_space<hbm>>
    tpu.enqueue_indirect_dma source(%dma_start3A_97 : memref<1000000x64xf32, #tpu.memory_space<hbm>>) target(%dma_start3A_92 : memref<128x64xf32, #tpu.memory_space<vmem>>) offsets(%dma_start3A_94 : memref<128xi32, #tpu.memory_space<vmem>>) semaphore(%arg18 : memref<!tpu.dma_semaphore, #tpu.memory_space<semaphore_mem>>)
    %dma_start3A_98 = arith.constant 384 : i32
    %dma_start3A_99 = arith.constant 0 : i32
    %dma_start3A_100 = tpu.memref_slice %arg14[%dma_start3A_98, %dma_start3A_99] : memref<512x16xf32, #tpu.memory_space<vmem>> -> memref<128x16xf32, #tpu.memory_space<vmem>>
    %dma_start3A_101 = arith.constant 384 : i32
    %dma_start3A_102 = tpu.memref_slice %arg12[%dma_start3A_101] : memref<512xi32, #tpu.memory_space<vmem>> -> memref<128xi32, #tpu.memory_space<vmem>>
    %dma_start3A_103 = arith.constant 0 : i32
    %dma_start3A_104 = arith.constant 0 : i32
    %dma_start3A_105 = tpu.memref_slice %arg4[%dma_start3A_103, %dma_start3A_104] : memref<1000000x16xf32, #tpu.memory_space<hbm>> -> memref<1000000x16xf32, #tpu.memory_space<hbm>>
    tpu.enqueue_indirect_dma source(%dma_start3A_105 : memref<1000000x16xf32, #tpu.memory_space<hbm>>) target(%dma_start3A_100 : memref<128x16xf32, #tpu.memory_space<vmem>>) offsets(%dma_start3A_102 : memref<128xi32, #tpu.memory_space<vmem>>) semaphore(%arg18 : memref<!tpu.dma_semaphore, #tpu.memory_space<semaphore_mem>>)
    %dma_start3A_106 = arith.constant 384 : i32
    %dma_start3A_107 = arith.constant 0 : i32
    %dma_start3A_108 = tpu.memref_slice %arg15[%dma_start3A_106, %dma_start3A_107] : memref<512x16xf32, #tpu.memory_space<vmem>> -> memref<128x16xf32, #tpu.memory_space<vmem>>
    %dma_start3A_109 = arith.constant 384 : i32
    %dma_start3A_110 = tpu.memref_slice %arg13[%dma_start3A_109] : memref<512xi32, #tpu.memory_space<vmem>> -> memref<128xi32, #tpu.memory_space<vmem>>
    %dma_start3A_111 = arith.constant 0 : i32
    %dma_start3A_112 = arith.constant 0 : i32
    %dma_start3A_113 = tpu.memref_slice %arg5[%dma_start3A_111, %dma_start3A_112] : memref<1000000x16xf32, #tpu.memory_space<hbm>> -> memref<1000000x16xf32, #tpu.memory_space<hbm>>
    tpu.enqueue_indirect_dma source(%dma_start3A_113 : memref<1000000x16xf32, #tpu.memory_space<hbm>>) target(%dma_start3A_108 : memref<128x16xf32, #tpu.memory_space<vmem>>) offsets(%dma_start3A_110 : memref<128xi32, #tpu.memory_space<vmem>>) semaphore(%arg18 : memref<!tpu.dma_semaphore, #tpu.memory_space<semaphore_mem>>)
    %dma_start3A_114 = arith.constant 384 : i32
    %dma_start3A_115 = arith.constant 0 : i32
    %dma_start3A_116 = tpu.memref_slice %arg16[%dma_start3A_114, %dma_start3A_115] : memref<512x64xf32, #tpu.memory_space<vmem>> -> memref<128x64xf32, #tpu.memory_space<vmem>>
    %dma_start3A_117 = arith.constant 384 : i32
    %dma_start3A_118 = tpu.memref_slice %arg12[%dma_start3A_117] : memref<512xi32, #tpu.memory_space<vmem>> -> memref<128xi32, #tpu.memory_space<vmem>>
    %dma_start3A_119 = arith.constant 0 : i32
    %dma_start3A_120 = arith.constant 0 : i32
    %dma_start3A_121 = tpu.memref_slice %arg6[%dma_start3A_119, %dma_start3A_120] : memref<1000000x64xf32, #tpu.memory_space<hbm>> -> memref<1000000x64xf32, #tpu.memory_space<hbm>>
    tpu.enqueue_indirect_dma source(%dma_start3A_121 : memref<1000000x64xf32, #tpu.memory_space<hbm>>) target(%dma_start3A_116 : memref<128x64xf32, #tpu.memory_space<vmem>>) offsets(%dma_start3A_118 : memref<128xi32, #tpu.memory_space<vmem>>) semaphore(%arg18 : memref<!tpu.dma_semaphore, #tpu.memory_space<semaphore_mem>>)
    %dma_start3A_122 = arith.constant 384 : i32
    %dma_start3A_123 = arith.constant 0 : i32
    %dma_start3A_124 = tpu.memref_slice %arg17[%dma_start3A_122, %dma_start3A_123] : memref<512x64xf32, #tpu.memory_space<vmem>> -> memref<128x64xf32, #tpu.memory_space<vmem>>
    %dma_start3A_125 = arith.constant 384 : i32
    %dma_start3A_126 = tpu.memref_slice %arg13[%dma_start3A_125] : memref<512xi32, #tpu.memory_space<vmem>> -> memref<128xi32, #tpu.memory_space<vmem>>
    %dma_start3A_127 = arith.constant 0 : i32
    %dma_start3A_128 = arith.constant 0 : i32
    %dma_start3A_129 = tpu.memref_slice %arg7[%dma_start3A_127, %dma_start3A_128] : memref<1000000x64xf32, #tpu.memory_space<hbm>> -> memref<1000000x64xf32, #tpu.memory_space<hbm>>
    tpu.enqueue_indirect_dma source(%dma_start3A_129 : memref<1000000x64xf32, #tpu.memory_space<hbm>>) target(%dma_start3A_124 : memref<128x64xf32, #tpu.memory_space<vmem>>) offsets(%dma_start3A_126 : memref<128xi32, #tpu.memory_space<vmem>>) semaphore(%arg18 : memref<!tpu.dma_semaphore, #tpu.memory_space<semaphore_mem>>)
    %dma_wait3A = arith.constant 0 : i32
    %dma_wait3A_130 = arith.constant 0 : i32
    %dma_wait3A_131 = tpu.memref_slice %arg14[%dma_wait3A, %dma_wait3A_130] : memref<512x16xf32, #tpu.memory_space<vmem>> -> memref<128x16xf32, #tpu.memory_space<vmem>>
    %dma_wait3A_132 = arith.constant 0 : i32
    %dma_wait3A_133 = tpu.memref_slice %arg12[%dma_wait3A_132] : memref<512xi32, #tpu.memory_space<vmem>> -> memref<128xi32, #tpu.memory_space<vmem>>
    %dma_wait3A_134 = arith.constant 0 : i32
    %dma_wait3A_135 = arith.constant 0 : i32
    %dma_wait3A_136 = tpu.memref_slice %arg4[%dma_wait3A_134, %dma_wait3A_135] : memref<1000000x16xf32, #tpu.memory_space<hbm>> -> memref<1000000x16xf32, #tpu.memory_space<hbm>>
    tpu.wait_indirect_dma semaphore(%arg18 : memref<!tpu.dma_semaphore, #tpu.memory_space<semaphore_mem>>) src(%dma_wait3A_136 : memref<1000000x16xf32, #tpu.memory_space<hbm>>) dst(%dma_wait3A_131 : memref<128x16xf32, #tpu.memory_space<vmem>>)
    %dma_wait3A_137 = arith.constant 0 : i32
    %dma_wait3A_138 = arith.constant 0 : i32
    %dma_wait3A_139 = tpu.memref_slice %arg15[%dma_wait3A_137, %dma_wait3A_138] : memref<512x16xf32, #tpu.memory_space<vmem>> -> memref<128x16xf32, #tpu.memory_space<vmem>>
    %dma_wait3A_140 = arith.constant 0 : i32
    %dma_wait3A_141 = tpu.memref_slice %arg13[%dma_wait3A_140] : memref<512xi32, #tpu.memory_space<vmem>> -> memref<128xi32, #tpu.memory_space<vmem>>
    %dma_wait3A_142 = arith.constant 0 : i32
    %dma_wait3A_143 = arith.constant 0 : i32
    %dma_wait3A_144 = tpu.memref_slice %arg5[%dma_wait3A_142, %dma_wait3A_143] : memref<1000000x16xf32, #tpu.memory_space<hbm>> -> memref<1000000x16xf32, #tpu.memory_space<hbm>>
    tpu.wait_indirect_dma semaphore(%arg18 : memref<!tpu.dma_semaphore, #tpu.memory_space<semaphore_mem>>) src(%dma_wait3A_144 : memref<1000000x16xf32, #tpu.memory_space<hbm>>) dst(%dma_wait3A_139 : memref<128x16xf32, #tpu.memory_space<vmem>>)
    %dma_wait3A_145 = arith.constant 0 : i32
    %dma_wait3A_146 = arith.constant 0 : i32
    %dma_wait3A_147 = tpu.memref_slice %arg16[%dma_wait3A_145, %dma_wait3A_146] : memref<512x64xf32, #tpu.memory_space<vmem>> -> memref<128x64xf32, #tpu.memory_space<vmem>>
    %dma_wait3A_148 = arith.constant 0 : i32
    %dma_wait3A_149 = tpu.memref_slice %arg12[%dma_wait3A_148] : memref<512xi32, #tpu.memory_space<vmem>> -> memref<128xi32, #tpu.memory_space<vmem>>
    %dma_wait3A_150 = arith.constant 0 : i32
    %dma_wait3A_151 = arith.constant 0 : i32
    %dma_wait3A_152 = tpu.memref_slice %arg6[%dma_wait3A_150, %dma_wait3A_151] : memref<1000000x64xf32, #tpu.memory_space<hbm>> -> memref<1000000x64xf32, #tpu.memory_space<hbm>>
    tpu.wait_indirect_dma semaphore(%arg18 : memref<!tpu.dma_semaphore, #tpu.memory_space<semaphore_mem>>) src(%dma_wait3A_152 : memref<1000000x64xf32, #tpu.memory_space<hbm>>) dst(%dma_wait3A_147 : memref<128x64xf32, #tpu.memory_space<vmem>>)
    %dma_wait3A_153 = arith.constant 0 : i32
    %dma_wait3A_154 = arith.constant 0 : i32
    %dma_wait3A_155 = tpu.memref_slice %arg17[%dma_wait3A_153, %dma_wait3A_154] : memref<512x64xf32, #tpu.memory_space<vmem>> -> memref<128x64xf32, #tpu.memory_space<vmem>>
    %dma_wait3A_156 = arith.constant 0 : i32
    %dma_wait3A_157 = tpu.memref_slice %arg13[%dma_wait3A_156] : memref<512xi32, #tpu.memory_space<vmem>> -> memref<128xi32, #tpu.memory_space<vmem>>
    %dma_wait3A_158 = arith.constant 0 : i32
    %dma_wait3A_159 = arith.constant 0 : i32
    %dma_wait3A_160 = tpu.memref_slice %arg7[%dma_wait3A_158, %dma_wait3A_159] : memref<1000000x64xf32, #tpu.memory_space<hbm>> -> memref<1000000x64xf32, #tpu.memory_space<hbm>>
    tpu.wait_indirect_dma semaphore(%arg18 : memref<!tpu.dma_semaphore, #tpu.memory_space<semaphore_mem>>) src(%dma_wait3A_160 : memref<1000000x64xf32, #tpu.memory_space<hbm>>) dst(%dma_wait3A_155 : memref<128x64xf32, #tpu.memory_space<vmem>>)
    %dma_wait3A_161 = arith.constant 128 : i32
    %dma_wait3A_162 = arith.constant 0 : i32
    %dma_wait3A_163 = tpu.memref_slice %arg14[%dma_wait3A_161, %dma_wait3A_162] : memref<512x16xf32, #tpu.memory_space<vmem>> -> memref<128x16xf32, #tpu.memory_space<vmem>>
    %dma_wait3A_164 = arith.constant 128 : i32
    %dma_wait3A_165 = tpu.memref_slice %arg12[%dma_wait3A_164] : memref<512xi32, #tpu.memory_space<vmem>> -> memref<128xi32, #tpu.memory_space<vmem>>
    %dma_wait3A_166 = arith.constant 0 : i32
    %dma_wait3A_167 = arith.constant 0 : i32
    %dma_wait3A_168 = tpu.memref_slice %arg4[%dma_wait3A_166, %dma_wait3A_167] : memref<1000000x16xf32, #tpu.memory_space<hbm>> -> memref<1000000x16xf32, #tpu.memory_space<hbm>>
    tpu.wait_indirect_dma semaphore(%arg18 : memref<!tpu.dma_semaphore, #tpu.memory_space<semaphore_mem>>) src(%dma_wait3A_168 : memref<1000000x16xf32, #tpu.memory_space<hbm>>) dst(%dma_wait3A_163 : memref<128x16xf32, #tpu.memory_space<vmem>>)
    %dma_wait3A_169 = arith.constant 128 : i32
    %dma_wait3A_170 = arith.constant 0 : i32
    %dma_wait3A_171 = tpu.memref_slice %arg15[%dma_wait3A_169, %dma_wait3A_170] : memref<512x16xf32, #tpu.memory_space<vmem>> -> memref<128x16xf32, #tpu.memory_space<vmem>>
    %dma_wait3A_172 = arith.constant 128 : i32
    %dma_wait3A_173 = tpu.memref_slice %arg13[%dma_wait3A_172] : memref<512xi32, #tpu.memory_space<vmem>> -> memref<128xi32, #tpu.memory_space<vmem>>
    %dma_wait3A_174 = arith.constant 0 : i32
    %dma_wait3A_175 = arith.constant 0 : i32
    %dma_wait3A_176 = tpu.memref_slice %arg5[%dma_wait3A_174, %dma_wait3A_175] : memref<1000000x16xf32, #tpu.memory_space<hbm>> -> memref<1000000x16xf32, #tpu.memory_space<hbm>>
    tpu.wait_indirect_dma semaphore(%arg18 : memref<!tpu.dma_semaphore, #tpu.memory_space<semaphore_mem>>) src(%dma_wait3A_176 : memref<1000000x16xf32, #tpu.memory_space<hbm>>) dst(%dma_wait3A_171 : memref<128x16xf32, #tpu.memory_space<vmem>>)
    %dma_wait3A_177 = arith.constant 128 : i32
    %dma_wait3A_178 = arith.constant 0 : i32
    %dma_wait3A_179 = tpu.memref_slice %arg16[%dma_wait3A_177, %dma_wait3A_178] : memref<512x64xf32, #tpu.memory_space<vmem>> -> memref<128x64xf32, #tpu.memory_space<vmem>>
    %dma_wait3A_180 = arith.constant 128 : i32
    %dma_wait3A_181 = tpu.memref_slice %arg12[%dma_wait3A_180] : memref<512xi32, #tpu.memory_space<vmem>> -> memref<128xi32, #tpu.memory_space<vmem>>
    %dma_wait3A_182 = arith.constant 0 : i32
    %dma_wait3A_183 = arith.constant 0 : i32
    %dma_wait3A_184 = tpu.memref_slice %arg6[%dma_wait3A_182, %dma_wait3A_183] : memref<1000000x64xf32, #tpu.memory_space<hbm>> -> memref<1000000x64xf32, #tpu.memory_space<hbm>>
    tpu.wait_indirect_dma semaphore(%arg18 : memref<!tpu.dma_semaphore, #tpu.memory_space<semaphore_mem>>) src(%dma_wait3A_184 : memref<1000000x64xf32, #tpu.memory_space<hbm>>) dst(%dma_wait3A_179 : memref<128x64xf32, #tpu.memory_space<vmem>>)
    %dma_wait3A_185 = arith.constant 128 : i32
    %dma_wait3A_186 = arith.constant 0 : i32
    %dma_wait3A_187 = tpu.memref_slice %arg17[%dma_wait3A_185, %dma_wait3A_186] : memref<512x64xf32, #tpu.memory_space<vmem>> -> memref<128x64xf32, #tpu.memory_space<vmem>>
    %dma_wait3A_188 = arith.constant 128 : i32
    %dma_wait3A_189 = tpu.memref_slice %arg13[%dma_wait3A_188] : memref<512xi32, #tpu.memory_space<vmem>> -> memref<128xi32, #tpu.memory_space<vmem>>
    %dma_wait3A_190 = arith.constant 0 : i32
    %dma_wait3A_191 = arith.constant 0 : i32
    %dma_wait3A_192 = tpu.memref_slice %arg7[%dma_wait3A_190, %dma_wait3A_191] : memref<1000000x64xf32, #tpu.memory_space<hbm>> -> memref<1000000x64xf32, #tpu.memory_space<hbm>>
    tpu.wait_indirect_dma semaphore(%arg18 : memref<!tpu.dma_semaphore, #tpu.memory_space<semaphore_mem>>) src(%dma_wait3A_192 : memref<1000000x64xf32, #tpu.memory_space<hbm>>) dst(%dma_wait3A_187 : memref<128x64xf32, #tpu.memory_space<vmem>>)
    %dma_wait3A_193 = arith.constant 256 : i32
    %dma_wait3A_194 = arith.constant 0 : i32
    %dma_wait3A_195 = tpu.memref_slice %arg14[%dma_wait3A_193, %dma_wait3A_194] : memref<512x16xf32, #tpu.memory_space<vmem>> -> memref<128x16xf32, #tpu.memory_space<vmem>>
    %dma_wait3A_196 = arith.constant 256 : i32
    %dma_wait3A_197 = tpu.memref_slice %arg12[%dma_wait3A_196] : memref<512xi32, #tpu.memory_space<vmem>> -> memref<128xi32, #tpu.memory_space<vmem>>
    %dma_wait3A_198 = arith.constant 0 : i32
    %dma_wait3A_199 = arith.constant 0 : i32
    %dma_wait3A_200 = tpu.memref_slice %arg4[%dma_wait3A_198, %dma_wait3A_199] : memref<1000000x16xf32, #tpu.memory_space<hbm>> -> memref<1000000x16xf32, #tpu.memory_space<hbm>>
    tpu.wait_indirect_dma semaphore(%arg18 : memref<!tpu.dma_semaphore, #tpu.memory_space<semaphore_mem>>) src(%dma_wait3A_200 : memref<1000000x16xf32, #tpu.memory_space<hbm>>) dst(%dma_wait3A_195 : memref<128x16xf32, #tpu.memory_space<vmem>>)
    %dma_wait3A_201 = arith.constant 256 : i32
    %dma_wait3A_202 = arith.constant 0 : i32
    %dma_wait3A_203 = tpu.memref_slice %arg15[%dma_wait3A_201, %dma_wait3A_202] : memref<512x16xf32, #tpu.memory_space<vmem>> -> memref<128x16xf32, #tpu.memory_space<vmem>>
    %dma_wait3A_204 = arith.constant 256 : i32
    %dma_wait3A_205 = tpu.memref_slice %arg13[%dma_wait3A_204] : memref<512xi32, #tpu.memory_space<vmem>> -> memref<128xi32, #tpu.memory_space<vmem>>
    %dma_wait3A_206 = arith.constant 0 : i32
    %dma_wait3A_207 = arith.constant 0 : i32
    %dma_wait3A_208 = tpu.memref_slice %arg5[%dma_wait3A_206, %dma_wait3A_207] : memref<1000000x16xf32, #tpu.memory_space<hbm>> -> memref<1000000x16xf32, #tpu.memory_space<hbm>>
    tpu.wait_indirect_dma semaphore(%arg18 : memref<!tpu.dma_semaphore, #tpu.memory_space<semaphore_mem>>) src(%dma_wait3A_208 : memref<1000000x16xf32, #tpu.memory_space<hbm>>) dst(%dma_wait3A_203 : memref<128x16xf32, #tpu.memory_space<vmem>>)
    %dma_wait3A_209 = arith.constant 256 : i32
    %dma_wait3A_210 = arith.constant 0 : i32
    %dma_wait3A_211 = tpu.memref_slice %arg16[%dma_wait3A_209, %dma_wait3A_210] : memref<512x64xf32, #tpu.memory_space<vmem>> -> memref<128x64xf32, #tpu.memory_space<vmem>>
    %dma_wait3A_212 = arith.constant 256 : i32
    %dma_wait3A_213 = tpu.memref_slice %arg12[%dma_wait3A_212] : memref<512xi32, #tpu.memory_space<vmem>> -> memref<128xi32, #tpu.memory_space<vmem>>
    %dma_wait3A_214 = arith.constant 0 : i32
    %dma_wait3A_215 = arith.constant 0 : i32
    %dma_wait3A_216 = tpu.memref_slice %arg6[%dma_wait3A_214, %dma_wait3A_215] : memref<1000000x64xf32, #tpu.memory_space<hbm>> -> memref<1000000x64xf32, #tpu.memory_space<hbm>>
    tpu.wait_indirect_dma semaphore(%arg18 : memref<!tpu.dma_semaphore, #tpu.memory_space<semaphore_mem>>) src(%dma_wait3A_216 : memref<1000000x64xf32, #tpu.memory_space<hbm>>) dst(%dma_wait3A_211 : memref<128x64xf32, #tpu.memory_space<vmem>>)
    %dma_wait3A_217 = arith.constant 256 : i32
    %dma_wait3A_218 = arith.constant 0 : i32
    %dma_wait3A_219 = tpu.memref_slice %arg17[%dma_wait3A_217, %dma_wait3A_218] : memref<512x64xf32, #tpu.memory_space<vmem>> -> memref<128x64xf32, #tpu.memory_space<vmem>>
    %dma_wait3A_220 = arith.constant 256 : i32
    %dma_wait3A_221 = tpu.memref_slice %arg13[%dma_wait3A_220] : memref<512xi32, #tpu.memory_space<vmem>> -> memref<128xi32, #tpu.memory_space<vmem>>
    %dma_wait3A_222 = arith.constant 0 : i32
    %dma_wait3A_223 = arith.constant 0 : i32
    %dma_wait3A_224 = tpu.memref_slice %arg7[%dma_wait3A_222, %dma_wait3A_223] : memref<1000000x64xf32, #tpu.memory_space<hbm>> -> memref<1000000x64xf32, #tpu.memory_space<hbm>>
    tpu.wait_indirect_dma semaphore(%arg18 : memref<!tpu.dma_semaphore, #tpu.memory_space<semaphore_mem>>) src(%dma_wait3A_224 : memref<1000000x64xf32, #tpu.memory_space<hbm>>) dst(%dma_wait3A_219 : memref<128x64xf32, #tpu.memory_space<vmem>>)
    %dma_wait3A_225 = arith.constant 384 : i32
    %dma_wait3A_226 = arith.constant 0 : i32
    %dma_wait3A_227 = tpu.memref_slice %arg14[%dma_wait3A_225, %dma_wait3A_226] : memref<512x16xf32, #tpu.memory_space<vmem>> -> memref<128x16xf32, #tpu.memory_space<vmem>>
    %dma_wait3A_228 = arith.constant 384 : i32
    %dma_wait3A_229 = tpu.memref_slice %arg12[%dma_wait3A_228] : memref<512xi32, #tpu.memory_space<vmem>> -> memref<128xi32, #tpu.memory_space<vmem>>
    %dma_wait3A_230 = arith.constant 0 : i32
    %dma_wait3A_231 = arith.constant 0 : i32
    %dma_wait3A_232 = tpu.memref_slice %arg4[%dma_wait3A_230, %dma_wait3A_231] : memref<1000000x16xf32, #tpu.memory_space<hbm>> -> memref<1000000x16xf32, #tpu.memory_space<hbm>>
    tpu.wait_indirect_dma semaphore(%arg18 : memref<!tpu.dma_semaphore, #tpu.memory_space<semaphore_mem>>) src(%dma_wait3A_232 : memref<1000000x16xf32, #tpu.memory_space<hbm>>) dst(%dma_wait3A_227 : memref<128x16xf32, #tpu.memory_space<vmem>>)
    %dma_wait3A_233 = arith.constant 384 : i32
    %dma_wait3A_234 = arith.constant 0 : i32
    %dma_wait3A_235 = tpu.memref_slice %arg15[%dma_wait3A_233, %dma_wait3A_234] : memref<512x16xf32, #tpu.memory_space<vmem>> -> memref<128x16xf32, #tpu.memory_space<vmem>>
    %dma_wait3A_236 = arith.constant 384 : i32
    %dma_wait3A_237 = tpu.memref_slice %arg13[%dma_wait3A_236] : memref<512xi32, #tpu.memory_space<vmem>> -> memref<128xi32, #tpu.memory_space<vmem>>
    %dma_wait3A_238 = arith.constant 0 : i32
    %dma_wait3A_239 = arith.constant 0 : i32
    %dma_wait3A_240 = tpu.memref_slice %arg5[%dma_wait3A_238, %dma_wait3A_239] : memref<1000000x16xf32, #tpu.memory_space<hbm>> -> memref<1000000x16xf32, #tpu.memory_space<hbm>>
    tpu.wait_indirect_dma semaphore(%arg18 : memref<!tpu.dma_semaphore, #tpu.memory_space<semaphore_mem>>) src(%dma_wait3A_240 : memref<1000000x16xf32, #tpu.memory_space<hbm>>) dst(%dma_wait3A_235 : memref<128x16xf32, #tpu.memory_space<vmem>>)
    %dma_wait3A_241 = arith.constant 384 : i32
    %dma_wait3A_242 = arith.constant 0 : i32
    %dma_wait3A_243 = tpu.memref_slice %arg16[%dma_wait3A_241, %dma_wait3A_242] : memref<512x64xf32, #tpu.memory_space<vmem>> -> memref<128x64xf32, #tpu.memory_space<vmem>>
    %dma_wait3A_244 = arith.constant 384 : i32
    %dma_wait3A_245 = tpu.memref_slice %arg12[%dma_wait3A_244] : memref<512xi32, #tpu.memory_space<vmem>> -> memref<128xi32, #tpu.memory_space<vmem>>
    %dma_wait3A_246 = arith.constant 0 : i32
    %dma_wait3A_247 = arith.constant 0 : i32
    %dma_wait3A_248 = tpu.memref_slice %arg6[%dma_wait3A_246, %dma_wait3A_247] : memref<1000000x64xf32, #tpu.memory_space<hbm>> -> memref<1000000x64xf32, #tpu.memory_space<hbm>>
    tpu.wait_indirect_dma semaphore(%arg18 : memref<!tpu.dma_semaphore, #tpu.memory_space<semaphore_mem>>) src(%dma_wait3A_248 : memref<1000000x64xf32, #tpu.memory_space<hbm>>) dst(%dma_wait3A_243 : memref<128x64xf32, #tpu.memory_space<vmem>>)
    %dma_wait3A_249 = arith.constant 384 : i32
    %dma_wait3A_250 = arith.constant 0 : i32
    %dma_wait3A_251 = tpu.memref_slice %arg17[%dma_wait3A_249, %dma_wait3A_250] : memref<512x64xf32, #tpu.memory_space<vmem>> -> memref<128x64xf32, #tpu.memory_space<vmem>>
    %dma_wait3A_252 = arith.constant 384 : i32
    %dma_wait3A_253 = tpu.memref_slice %arg13[%dma_wait3A_252] : memref<512xi32, #tpu.memory_space<vmem>> -> memref<128xi32, #tpu.memory_space<vmem>>
    %dma_wait3A_254 = arith.constant 0 : i32
    %dma_wait3A_255 = arith.constant 0 : i32
    %dma_wait3A_256 = tpu.memref_slice %arg7[%dma_wait3A_254, %dma_wait3A_255] : memref<1000000x64xf32, #tpu.memory_space<hbm>> -> memref<1000000x64xf32, #tpu.memory_space<hbm>>
    tpu.wait_indirect_dma semaphore(%arg18 : memref<!tpu.dma_semaphore, #tpu.memory_space<semaphore_mem>>) src(%dma_wait3A_256 : memref<1000000x64xf32, #tpu.memory_space<hbm>>) dst(%dma_wait3A_251 : memref<128x64xf32, #tpu.memory_space<vmem>>)
    "tpu.region"() ({
      %run_scoped3A = tpu.sem_alloc : memref<!tpu.dma_semaphore, #tpu.memory_space<semaphore_mem>>
      %dma_start3A_257 = arith.constant 0 : i32
      %dma_start3A_258 = tpu.memref_slice %arg8[%mul3A_2, %dma_start3A_257] : memref<16384x16xf32, #tpu.memory_space<hbm>> -> memref<512x16xf32, #tpu.memory_space<hbm>>
      %dma_start3A_259 = arith.constant 0 : i32
      %dma_start3A_260 = tpu.memref_slice %arg8[%mul3A_2, %dma_start3A_259] : memref<16384x16xf32, #tpu.memory_space<hbm>> -> memref<512x16xf32, #tpu.memory_space<hbm>>
      tpu.enqueue_dma source(%arg14 : memref<512x16xf32, #tpu.memory_space<vmem>>) target(%dma_start3A_260 : memref<512x16xf32, #tpu.memory_space<hbm>>) target_semaphore(%run_scoped3A : memref<!tpu.dma_semaphore, #tpu.memory_space<semaphore_mem>>)
      %dma_wait3A_261 = arith.constant 0 : i32
      %dma_wait3A_262 = tpu.memref_slice %arg8[%mul3A_2, %dma_wait3A_261] : memref<16384x16xf32, #tpu.memory_space<hbm>> -> memref<512x16xf32, #tpu.memory_space<hbm>>
      %dma_wait3A_263 = arith.constant 0 : i32
      %dma_wait3A_264 = tpu.memref_slice %arg8[%mul3A_2, %dma_wait3A_263] : memref<16384x16xf32, #tpu.memory_space<hbm>> -> memref<512x16xf32, #tpu.memory_space<hbm>>
      tpu.wait_dma2 semaphore(%run_scoped3A : memref<!tpu.dma_semaphore, #tpu.memory_space<semaphore_mem>>) src(%arg14 : memref<512x16xf32, #tpu.memory_space<vmem>>) dst(%dma_wait3A_264 : memref<512x16xf32, #tpu.memory_space<hbm>>)
      tpu.yield
    }) : () -> ()
    "tpu.region"() ({
      %run_scoped3A = tpu.sem_alloc : memref<!tpu.dma_semaphore, #tpu.memory_space<semaphore_mem>>
      %dma_start3A_257 = arith.constant 0 : i32
      %dma_start3A_258 = tpu.memref_slice %arg9[%mul3A_2, %dma_start3A_257] : memref<16384x16xf32, #tpu.memory_space<hbm>> -> memref<512x16xf32, #tpu.memory_space<hbm>>
      %dma_start3A_259 = arith.constant 0 : i32
      %dma_start3A_260 = tpu.memref_slice %arg9[%mul3A_2, %dma_start3A_259] : memref<16384x16xf32, #tpu.memory_space<hbm>> -> memref<512x16xf32, #tpu.memory_space<hbm>>
      tpu.enqueue_dma source(%arg15 : memref<512x16xf32, #tpu.memory_space<vmem>>) target(%dma_start3A_260 : memref<512x16xf32, #tpu.memory_space<hbm>>) target_semaphore(%run_scoped3A : memref<!tpu.dma_semaphore, #tpu.memory_space<semaphore_mem>>)
      %dma_wait3A_261 = arith.constant 0 : i32
      %dma_wait3A_262 = tpu.memref_slice %arg9[%mul3A_2, %dma_wait3A_261] : memref<16384x16xf32, #tpu.memory_space<hbm>> -> memref<512x16xf32, #tpu.memory_space<hbm>>
      %dma_wait3A_263 = arith.constant 0 : i32
      %dma_wait3A_264 = tpu.memref_slice %arg9[%mul3A_2, %dma_wait3A_263] : memref<16384x16xf32, #tpu.memory_space<hbm>> -> memref<512x16xf32, #tpu.memory_space<hbm>>
      tpu.wait_dma2 semaphore(%run_scoped3A : memref<!tpu.dma_semaphore, #tpu.memory_space<semaphore_mem>>) src(%arg15 : memref<512x16xf32, #tpu.memory_space<vmem>>) dst(%dma_wait3A_264 : memref<512x16xf32, #tpu.memory_space<hbm>>)
      tpu.yield
    }) : () -> ()
    "tpu.region"() ({
      %run_scoped3A = tpu.sem_alloc : memref<!tpu.dma_semaphore, #tpu.memory_space<semaphore_mem>>
      %dma_start3A_257 = arith.constant 0 : i32
      %dma_start3A_258 = tpu.memref_slice %arg10[%mul3A_2, %dma_start3A_257] : memref<16384x64xf32, #tpu.memory_space<hbm>> -> memref<512x64xf32, #tpu.memory_space<hbm>>
      %dma_start3A_259 = arith.constant 0 : i32
      %dma_start3A_260 = tpu.memref_slice %arg10[%mul3A_2, %dma_start3A_259] : memref<16384x64xf32, #tpu.memory_space<hbm>> -> memref<512x64xf32, #tpu.memory_space<hbm>>
      tpu.enqueue_dma source(%arg16 : memref<512x64xf32, #tpu.memory_space<vmem>>) target(%dma_start3A_260 : memref<512x64xf32, #tpu.memory_space<hbm>>) target_semaphore(%run_scoped3A : memref<!tpu.dma_semaphore, #tpu.memory_space<semaphore_mem>>)
      %dma_wait3A_261 = arith.constant 0 : i32
      %dma_wait3A_262 = tpu.memref_slice %arg10[%mul3A_2, %dma_wait3A_261] : memref<16384x64xf32, #tpu.memory_space<hbm>> -> memref<512x64xf32, #tpu.memory_space<hbm>>
      %dma_wait3A_263 = arith.constant 0 : i32
      %dma_wait3A_264 = tpu.memref_slice %arg10[%mul3A_2, %dma_wait3A_263] : memref<16384x64xf32, #tpu.memory_space<hbm>> -> memref<512x64xf32, #tpu.memory_space<hbm>>
      tpu.wait_dma2 semaphore(%run_scoped3A : memref<!tpu.dma_semaphore, #tpu.memory_space<semaphore_mem>>) src(%arg16 : memref<512x64xf32, #tpu.memory_space<vmem>>) dst(%dma_wait3A_264 : memref<512x64xf32, #tpu.memory_space<hbm>>)
      tpu.yield
    }) : () -> ()
    "tpu.region"() ({
      %run_scoped3A = tpu.sem_alloc : memref<!tpu.dma_semaphore, #tpu.memory_space<semaphore_mem>>
      %dma_start3A_257 = arith.constant 0 : i32
      %dma_start3A_258 = tpu.memref_slice %arg11[%mul3A_2, %dma_start3A_257] : memref<16384x64xf32, #tpu.memory_space<hbm>> -> memref<512x64xf32, #tpu.memory_space<hbm>>
      %dma_start3A_259 = arith.constant 0 : i32
      %dma_start3A_260 = tpu.memref_slice %arg11[%mul3A_2, %dma_start3A_259] : memref<16384x64xf32, #tpu.memory_space<hbm>> -> memref<512x64xf32, #tpu.memory_space<hbm>>
      tpu.enqueue_dma source(%arg17 : memref<512x64xf32, #tpu.memory_space<vmem>>) target(%dma_start3A_260 : memref<512x64xf32, #tpu.memory_space<hbm>>) target_semaphore(%run_scoped3A : memref<!tpu.dma_semaphore, #tpu.memory_space<semaphore_mem>>)
      %dma_wait3A_261 = arith.constant 0 : i32
      %dma_wait3A_262 = tpu.memref_slice %arg11[%mul3A_2, %dma_wait3A_261] : memref<16384x64xf32, #tpu.memory_space<hbm>> -> memref<512x64xf32, #tpu.memory_space<hbm>>
      %dma_wait3A_263 = arith.constant 0 : i32
      %dma_wait3A_264 = tpu.memref_slice %arg11[%mul3A_2, %dma_wait3A_263] : memref<16384x64xf32, #tpu.memory_space<hbm>> -> memref<512x64xf32, #tpu.memory_space<hbm>>
      tpu.wait_dma2 semaphore(%run_scoped3A : memref<!tpu.dma_semaphore, #tpu.memory_space<semaphore_mem>>) src(%arg17 : memref<512x64xf32, #tpu.memory_space<vmem>>) dst(%dma_wait3A_264 : memref<512x64xf32, #tpu.memory_space<hbm>>)
      tpu.yield
    }) : () -> ()
    return
  }
}

module attributes {stable_mosaic.version = 14 : i64} {
  func.func @_dense_body(%arg0: i32, %arg1: memref<2048x16xf32, #tpu.memory_space<vmem>>, %arg2: memref<2048x16xf32, #tpu.memory_space<vmem>>, %arg3: memref<2048x64xf32, #tpu.memory_space<vmem>>, %arg4: memref<2048x64xf32, #tpu.memory_space<vmem>>, %arg5: memref<64x64xf32, #tpu.memory_space<vmem>>, %arg6: memref<64x64xf32, #tpu.memory_space<vmem>>, %arg7: memref<1x64xf32, #tpu.memory_space<vmem>>, %arg8: memref<64x32xf32, #tpu.memory_space<vmem>>, %arg9: memref<1x32xf32, #tpu.memory_space<vmem>>, %arg10: memref<32x16xf32, #tpu.memory_space<vmem>>, %arg11: memref<1x16xf32, #tpu.memory_space<vmem>>, %arg12: memref<1x16xf32, #tpu.memory_space<vmem>>, %arg13: memref<1x16xf32, #tpu.memory_space<vmem>>, %arg14: memref<1x1xf32, #tpu.memory_space<vmem>>, %arg15: memref<2048x1xf32, #tpu.memory_space<vmem>>) attributes {dimension_semantics = [#tpu.dimension_semantics<arbitrary>], iteration_bounds = array<i64: 8>, scalar_prefetch = 0 : i64, scratch_operands = 0 : i64, tpu.core_type = #tpu.core_type<tc>, window_params = [{transform_indices = @transform_0, window_bounds = array<i64: 2048, 16>}, {transform_indices = @transform_1, window_bounds = array<i64: 2048, 16>}, {transform_indices = @transform_2, window_bounds = array<i64: 2048, 64>}, {transform_indices = @transform_3, window_bounds = array<i64: 2048, 64>}, {pipeline_mode = #tpu.pipeline_mode<synchronous>, transform_indices = @transform_4, window_bounds = array<i64: 64, 64>}, {pipeline_mode = #tpu.pipeline_mode<synchronous>, transform_indices = @transform_5, window_bounds = array<i64: 64, 64>}, {pipeline_mode = #tpu.pipeline_mode<synchronous>, transform_indices = @transform_6, window_bounds = array<i64: 1, 64>}, {pipeline_mode = #tpu.pipeline_mode<synchronous>, transform_indices = @transform_7, window_bounds = array<i64: 64, 32>}, {pipeline_mode = #tpu.pipeline_mode<synchronous>, transform_indices = @transform_8, window_bounds = array<i64: 1, 32>}, {pipeline_mode = #tpu.pipeline_mode<synchronous>, transform_indices = @transform_9, window_bounds = array<i64: 32, 16>}, {pipeline_mode = #tpu.pipeline_mode<synchronous>, transform_indices = @transform_10, window_bounds = array<i64: 1, 16>}, {pipeline_mode = #tpu.pipeline_mode<synchronous>, transform_indices = @transform_11, window_bounds = array<i64: 1, 16>}, {pipeline_mode = #tpu.pipeline_mode<synchronous>, transform_indices = @transform_12, window_bounds = array<i64: 1, 16>}, {pipeline_mode = #tpu.pipeline_mode<synchronous>, transform_indices = @transform_13, window_bounds = array<i64: 1, 1>}, {transform_indices = @transform_14, window_bounds = array<i64: 2048, 1>}]} {
    %get3A = arith.constant 0 : index
    %get3A_0 = arith.constant 0 : index
    %get3A_1 = vector.load %arg3[%get3A, %get3A_0] : memref<2048x64xf32, #tpu.memory_space<vmem>>, vector<2048x64xf32>
    %get3A_2 = arith.constant 0 : index
    %get3A_3 = arith.constant 0 : index
    %get3A_4 = vector.load %arg5[%get3A_2, %get3A_3] : memref<64x64xf32, #tpu.memory_space<vmem>>, vector<64x64xf32>
    %dot_general3A = arith.constant dense<0.000000e+00> : vector<2048x64xf32>
    %dot_general3A_5 = tpu.matmul %get3A_1, %get3A_4, %dot_general3A {dimension_numbers = #tpu.dot_dimension_numbers<[1], [0], [0], [1], [0, 0, 1, 1], [], []>, transpose_lhs_hint = false} : vector<2048x64xf32>, vector<64x64xf32>, vector<2048x64xf32> -> vector<2048x64xf32>
    %get3A_6 = arith.constant 0 : index
    %get3A_7 = arith.constant 0 : index
    %get3A_8 = vector.load %arg4[%get3A_6, %get3A_7] : memref<2048x64xf32, #tpu.memory_space<vmem>>, vector<2048x64xf32>
    %get3A_9 = arith.constant 0 : index
    %get3A_10 = arith.constant 0 : index
    %get3A_11 = vector.load %arg6[%get3A_9, %get3A_10] : memref<64x64xf32, #tpu.memory_space<vmem>>, vector<64x64xf32>
    %dot_general3A_12 = arith.constant dense<0.000000e+00> : vector<2048x64xf32>
    %dot_general3A_13 = tpu.matmul %get3A_8, %get3A_11, %dot_general3A_12 {dimension_numbers = #tpu.dot_dimension_numbers<[1], [0], [0], [1], [0, 0, 1, 1], [], []>, transpose_lhs_hint = false} : vector<2048x64xf32>, vector<64x64xf32>, vector<2048x64xf32> -> vector<2048x64xf32>
    %add3A = arith.addf %dot_general3A_5, %dot_general3A_13 : vector<2048x64xf32>
    %get3A_14 = arith.constant 0 : index
    %get3A_15 = arith.constant 0 : index
    %get3A_16 = vector.load %arg7[%get3A_14, %get3A_15] : memref<1x64xf32, #tpu.memory_space<vmem>>, vector<1x64xf32>
    %add3A_17 = vector.broadcast %get3A_16 : vector<1x64xf32> to vector<2048x64xf32>
    %add3A_18 = arith.addf %add3A, %add3A_17 : vector<2048x64xf32>
    %max3A = arith.constant 0.000000e+00 : f32
    %max3A_19 = vector.broadcast %max3A : f32 to vector<2048x64xf32>
    %max3A_20 = arith.maximumf %add3A_18, %max3A_19 : vector<2048x64xf32>
    %get3A_21 = arith.constant 0 : index
    %get3A_22 = arith.constant 0 : index
    %get3A_23 = vector.load %arg8[%get3A_21, %get3A_22] : memref<64x32xf32, #tpu.memory_space<vmem>>, vector<64x32xf32>
    %dot_general3A_24 = arith.constant dense<0.000000e+00> : vector<2048x32xf32>
    %dot_general3A_25 = tpu.matmul %max3A_20, %get3A_23, %dot_general3A_24 {dimension_numbers = #tpu.dot_dimension_numbers<[1], [0], [0], [1], [0, 0, 1, 1], [], []>, transpose_lhs_hint = false} : vector<2048x64xf32>, vector<64x32xf32>, vector<2048x32xf32> -> vector<2048x32xf32>
    %get3A_26 = arith.constant 0 : index
    %get3A_27 = arith.constant 0 : index
    %get3A_28 = vector.load %arg9[%get3A_26, %get3A_27] : memref<1x32xf32, #tpu.memory_space<vmem>>, vector<1x32xf32>
    %add3A_29 = vector.broadcast %get3A_28 : vector<1x32xf32> to vector<2048x32xf32>
    %add3A_30 = arith.addf %dot_general3A_25, %add3A_29 : vector<2048x32xf32>
    %max3A_31 = arith.constant 0.000000e+00 : f32
    %max3A_32 = vector.broadcast %max3A_31 : f32 to vector<2048x32xf32>
    %max3A_33 = arith.maximumf %add3A_30, %max3A_32 : vector<2048x32xf32>
    %get3A_34 = arith.constant 0 : index
    %get3A_35 = arith.constant 0 : index
    %get3A_36 = vector.load %arg10[%get3A_34, %get3A_35] : memref<32x16xf32, #tpu.memory_space<vmem>>, vector<32x16xf32>
    %dot_general3A_37 = arith.constant dense<0.000000e+00> : vector<2048x16xf32>
    %dot_general3A_38 = tpu.matmul %max3A_33, %get3A_36, %dot_general3A_37 {dimension_numbers = #tpu.dot_dimension_numbers<[1], [0], [0], [1], [0, 0, 1, 1], [], []>, transpose_lhs_hint = false} : vector<2048x32xf32>, vector<32x16xf32>, vector<2048x16xf32> -> vector<2048x16xf32>
    %get3A_39 = arith.constant 0 : index
    %get3A_40 = arith.constant 0 : index
    %get3A_41 = vector.load %arg11[%get3A_39, %get3A_40] : memref<1x16xf32, #tpu.memory_space<vmem>>, vector<1x16xf32>
    %add3A_42 = vector.broadcast %get3A_41 : vector<1x16xf32> to vector<2048x16xf32>
    %add3A_43 = arith.addf %dot_general3A_38, %add3A_42 : vector<2048x16xf32>
    %max3A_44 = arith.constant 0.000000e+00 : f32
    %max3A_45 = vector.broadcast %max3A_44 : f32 to vector<2048x16xf32>
    %max3A_46 = arith.maximumf %add3A_43, %max3A_45 : vector<2048x16xf32>
    %get3A_47 = arith.constant 0 : index
    %get3A_48 = arith.constant 0 : index
    %get3A_49 = vector.load %arg1[%get3A_47, %get3A_48] : memref<2048x16xf32, #tpu.memory_space<vmem>>, vector<2048x16xf32>
    %get3A_50 = arith.constant 0 : index
    %get3A_51 = arith.constant 0 : index
    %get3A_52 = vector.load %arg2[%get3A_50, %get3A_51] : memref<2048x16xf32, #tpu.memory_space<vmem>>, vector<2048x16xf32>
    %mul3A = arith.mulf %get3A_49, %get3A_52 : vector<2048x16xf32>
    %get3A_53 = arith.constant 0 : index
    %get3A_54 = arith.constant 0 : index
    %get3A_55 = vector.load %arg12[%get3A_53, %get3A_54] : memref<1x16xf32, #tpu.memory_space<vmem>>, vector<1x16xf32>
    %mul3A_56 = vector.broadcast %get3A_55 : vector<1x16xf32> to vector<2048x16xf32>
    %mul3A_57 = arith.mulf %max3A_46, %mul3A_56 : vector<2048x16xf32>
    %reduce_sum3A = arith.constant dense<0.000000e+00> : vector<2048xf32>
    %reduce_sum3A_58 = vector.multi_reduction <add>, %mul3A_57, %reduce_sum3A [1] : vector<2048x16xf32> to vector<2048xf32>
    %broadcast_in_dim3A = vector.shape_cast %reduce_sum3A_58 : vector<2048xf32> to vector<2048x1xf32>
    %get3A_59 = arith.constant 0 : index
    %get3A_60 = arith.constant 0 : index
    %get3A_61 = vector.load %arg13[%get3A_59, %get3A_60] : memref<1x16xf32, #tpu.memory_space<vmem>>, vector<1x16xf32>
    %mul3A_62 = vector.broadcast %get3A_61 : vector<1x16xf32> to vector<2048x16xf32>
    %mul3A_63 = arith.mulf %mul3A, %mul3A_62 : vector<2048x16xf32>
    %reduce_sum3A_64 = arith.constant dense<0.000000e+00> : vector<2048xf32>
    %reduce_sum3A_65 = vector.multi_reduction <add>, %mul3A_63, %reduce_sum3A_64 [1] : vector<2048x16xf32> to vector<2048xf32>
    %broadcast_in_dim3A_66 = vector.shape_cast %reduce_sum3A_65 : vector<2048xf32> to vector<2048x1xf32>
    %add3A_67 = arith.addf %broadcast_in_dim3A, %broadcast_in_dim3A_66 : vector<2048x1xf32>
    %get3A_68 = arith.constant 0 : index
    %get3A_69 = arith.constant 0 : index
    %get3A_70 = vector.load %arg14[%get3A_68, %get3A_69] : memref<1x1xf32, #tpu.memory_space<vmem>>, vector<1x1xf32>
    %get3A_71 = vector.extract %get3A_70[0, 0] : f32 from vector<1x1xf32>
    %add3A_72 = vector.broadcast %get3A_71 : f32 to vector<2048x1xf32>
    %add3A_73 = arith.addf %add3A_67, %add3A_72 : vector<2048x1xf32>
    %neg3A = arith.constant 0.000000e+00 : f32
    %neg3A_74 = vector.broadcast %neg3A : f32 to vector<2048x1xf32>
    %neg3A_75 = arith.subf %neg3A_74, %add3A_73 : vector<2048x1xf32>
    %exp3A = math.exp %neg3A_75 : vector<2048x1xf32>
    %add3A_76 = arith.constant 1.000000e+00 : f32
    %add3A_77 = vector.broadcast %add3A_76 : f32 to vector<2048x1xf32>
    %add3A_78 = arith.addf %add3A_77, %exp3A : vector<2048x1xf32>
    %div3A = arith.constant 1.000000e+00 : f32
    %div3A_79 = vector.broadcast %div3A : f32 to vector<2048x1xf32>
    %div3A_80 = arith.divf %div3A_79, %add3A_78 : vector<2048x1xf32>
    %swap3A = arith.constant 0 : index
    %swap3A_81 = arith.constant 0 : index
    %swap3A_82 = vector.load %arg15[%swap3A, %swap3A_81] : memref<2048x1xf32, #tpu.memory_space<vmem>>, vector<2048x1xf32>
    tpu.vector_store %arg15[%swap3A, %swap3A_81], %div3A_80 {strides = array<i32>} : memref<2048x1xf32, #tpu.memory_space<vmem>>, vector<2048x1xf32>,
    return
  }
  func.func @transform_0(%arg0: i32) -> (i32, i32) {
    %c0_i32 = arith.constant 0 : i32
    %c0_i32_0 = arith.constant 0 : i32
    return %arg0, %c0_i32 : i32, i32
  }
  func.func @transform_1(%arg0: i32) -> (i32, i32) {
    %c0_i32 = arith.constant 0 : i32
    %c0_i32_0 = arith.constant 0 : i32
    return %arg0, %c0_i32 : i32, i32
  }
  func.func @transform_2(%arg0: i32) -> (i32, i32) {
    %c0_i32 = arith.constant 0 : i32
    %c0_i32_0 = arith.constant 0 : i32
    return %arg0, %c0_i32 : i32, i32
  }
  func.func @transform_3(%arg0: i32) -> (i32, i32) {
    %c0_i32 = arith.constant 0 : i32
    %c0_i32_0 = arith.constant 0 : i32
    return %arg0, %c0_i32 : i32, i32
  }
  func.func @transform_4(%arg0: i32) -> (i32, i32) {
    %c0_i32 = arith.constant 0 : i32
    %c0_i32_0 = arith.constant 0 : i32
    %c0_i32_1 = arith.constant 0 : i32
    return %c0_i32, %c0_i32_0 : i32, i32
  }
  func.func @transform_5(%arg0: i32) -> (i32, i32) {
    %c0_i32 = arith.constant 0 : i32
    %c0_i32_0 = arith.constant 0 : i32
    %c0_i32_1 = arith.constant 0 : i32
    return %c0_i32, %c0_i32_0 : i32, i32
  }
  func.func @transform_6(%arg0: i32) -> (i32, i32) {
    %c0_i32 = arith.constant 0 : i32
    %c0_i32_0 = arith.constant 0 : i32
    %c0_i32_1 = arith.constant 0 : i32
    return %c0_i32, %c0_i32_0 : i32, i32
  }
  func.func @transform_7(%arg0: i32) -> (i32, i32) {
    %c0_i32 = arith.constant 0 : i32
    %c0_i32_0 = arith.constant 0 : i32
    %c0_i32_1 = arith.constant 0 : i32
    return %c0_i32, %c0_i32_0 : i32, i32
  }
  func.func @transform_8(%arg0: i32) -> (i32, i32) {
    %c0_i32 = arith.constant 0 : i32
    %c0_i32_0 = arith.constant 0 : i32
    %c0_i32_1 = arith.constant 0 : i32
    return %c0_i32, %c0_i32_0 : i32, i32
  }
  func.func @transform_9(%arg0: i32) -> (i32, i32) {
    %c0_i32 = arith.constant 0 : i32
    %c0_i32_0 = arith.constant 0 : i32
    %c0_i32_1 = arith.constant 0 : i32
    return %c0_i32, %c0_i32_0 : i32, i32
  }
  func.func @transform_10(%arg0: i32) -> (i32, i32) {
    %c0_i32 = arith.constant 0 : i32
    %c0_i32_0 = arith.constant 0 : i32
    %c0_i32_1 = arith.constant 0 : i32
    return %c0_i32, %c0_i32_0 : i32, i32
  }
  func.func @transform_11(%arg0: i32) -> (i32, i32) {
    %c0_i32 = arith.constant 0 : i32
    %c0_i32_0 = arith.constant 0 : i32
    %c0_i32_1 = arith.constant 0 : i32
    return %c0_i32, %c0_i32_0 : i32, i32
  }
  func.func @transform_12(%arg0: i32) -> (i32, i32) {
    %c0_i32 = arith.constant 0 : i32
    %c0_i32_0 = arith.constant 0 : i32
    %c0_i32_1 = arith.constant 0 : i32
    return %c0_i32, %c0_i32_0 : i32, i32
  }
  func.func @transform_13(%arg0: i32) -> (i32, i32) {
    %c0_i32 = arith.constant 0 : i32
    %c0_i32_0 = arith.constant 0 : i32
    %c0_i32_1 = arith.constant 0 : i32
    return %c0_i32, %c0_i32_0 : i32, i32
  }
  func.func @transform_14(%arg0: i32) -> (i32, i32) {
    %c0_i32 = arith.constant 0 : i32
    %c0_i32_0 = arith.constant 0 : i32
    return %arg0, %c0_i32 : i32, i32
  }
}

</mosaic_0001>

<sc_bundles>
// kernel: kernel.4.cloned.1.call-start
scs
__scs_entry_jumppad:
0x0: {  	(pc) =	sbr.rel $0x88, $3  }
0x1: {  	(tag) =	ssettag $0x0;
	lr =	simm.s32 $0x1  }
0x2: {  	[smem:$0x3F93] =	sst lr;
	_ =	strace $0xD0000000  }
0x3: {  	_ = 	snop  }
0x4: {  	_ = 	snop  }
0x5: {  	_ = 	snop  }
0x6: {  	_ = 	snop  }
0x7: {  	_ = 	snop  }
__scs_overlays_trampoline_lowered:
0x8: {  	[smem:$0x3FA2] =	sst s0  }
0x9: {  	[smem:$0x3FA3] =	sst s1  }
0xa: {  	[smem:$0x3FA4] =	sst s2  }
0xb: {  	[smem:$0x3FA5] =	sst s3  }
0xc: {  	[smem:$0x3FA6] =	sst s4  }
0xd: {  	[smem:$0x3FA7] =	sst s5  }
0xe: {  	[smem:$0x3FA8] =	sst s6  }
0xf: {  	[smem:$0x3FA9] =	sst s7  }
0x10: {  	[smem:$0x3FAA] =	sst s8  }
0x11: {  	[smem:$0x3FAB] =	sst s9;
	s0 =	simm.s32 @!p0 $0x0  }
0x12: {  	s1 =	sld [smem:$0x3F91];
	s0 =	simm.s32 @p0 $0x1  }
0x13: {  	[smem:$0x3FAC] =	sst s0;
	s0 =	simm.s32 @!p1 $0x0  }
0x14: {  	s2 =	sld [smem:$0x3F90];
	s0 =	simm.s32 @p1 $0x1  }
0x15: {  	[smem:$0x3FAD] =	sst s0;
	s0 =	simm.s32 @!p2 $0x0  }
0x16: {  	s3 =	sld [smem:$0x3FDB];
	s0 =	simm.s32 @p2 $0x1  }
0x17: {  	s4 =	simm.s32 $0x1BF5;
	[smem:$0x3FAF] =	sst s0  }
0x18: {  	s0 =	sld [smem:$0x3F92];
	_ =	swait.ge [sflag:s4], $0x0  }
0x19: {  	s7 =	sld [smem:$0x3F93]  }
0x1a: {  	s8 =	sadd.s32 $0xFFFFE003, lr  }
0x1b: {  	s9 =	sadd.s32 $0xFFFFFEF7, lr;
	s5 =	simm.s32 $0xFFFFFFFF;
	p2 =	slt.u32 s8, $0xFFFFF086  }
0x1c: {  	p1 =	slt.u32 s9, $0xF7A;
	s5 =	simm.s32 @!p2 $0x0  }
0x1d: {  	s5 =	simm.s32 @p1 $0x1;
	p0 =	seq.s32 s7, s2  }
0x1e: {  	s7 =	smul.u32 @!p0 $0xF7A, s2;
	p2 =	seq.s32 @!p0 s5, $0x0  }
0x1f: {  	s9 =	smul.u32 $0xF7A, s1;
	s8 =	simm.s32 @!p0 $0x1BF5;
	p2 =	por !p2, p0  }
0x20: {  	[sflag:s8] =	ssyncset.s32 @!p0 $0xFFFFF086;
	s6 =	sadd.s32 @!p0 s3, s7;
	s7 =	simm.s32 @!p0 $0x108  }
0x21: {  	s3 =	sadd.s32 s3, s9;
	s6 =	sadd.s32 @!p0 $0x88, s6;
	s7 =	simm.s32 @p2 $0x1082  }
0x22: {  	[simem:s7], [sflag:s8] =	dma.local @!p0 [hbm:s6], $0xF7A  }
0x23: {  	s9 =	sor.u32 $0xD0000000, s2;
	s6 =	simm.s32 $0x108;
	_ =	swait.ge @!p0 [sflag:s8], $0x0  }
0x24: {  	s3 =	sadd.s32 $0x88, s3;
	s6 =	simm.s32 @!p1 $0x1082;
	[sflag:s4] =	ssyncset.s32 $0xFFFFF086  }
0x25: {  	[simem:s6], [sflag:s4] =	dma.local [hbm:s3], $0xF7A  }
0x26: {  	[smem:$0x3F93] =	sst s1;
	(tag) =	ssettag s2;
	_ =	strace s9  }
0x27: {  	s1 =	sld [smem:$0x3FA3]  }
0x28: {  	s2 =	sld [smem:$0x3FA4]  }
0x29: {  	s4 =	sld [smem:$0x3FA6]  }
0x2a: {  	p0 =	seq.s32 s5, $0x0;
	s5 =	sld [smem:$0x3FA7]  }
0x2b: {  	s6 =	sld [smem:$0x3FA8]  }
0x2c: {  	s7 =	sld [smem:$0x3FA9]  }
0x2d: {  	s3 =	simm.s32 $0x108;
	s8 =	sld [smem:$0x3FAA]  }
0x2e: {  	s3 =	simm.s32 @!p0 $0x1082;
	s9 =	sld [smem:$0x3FAB]  }
0x2f: {  	lr =	sadd.s32 s0, s3;
	s0 =	sld [smem:$0x3FA2]  }
0x30: {  	s3 =	sld [smem:$0x3FA5]  }
0x31: {  	[smem:$0x3FAE] =	sst s10  }
0x32: {  	s10 =	sld [smem:$0x3FAC];
	_ =	sdelay $0x3  }
0x33: {  	p0 =	seq.s32 s10, $0x1;
	s10 =	sld [smem:$0x3FAE];
	_ =	sdelay $0x3  }
0x34: {  	[smem:$0x3FAE] =	sst s10  }
0x35: {  	s10 =	sld [smem:$0x3FAD];
	_ =	sdelay $0x3  }
0x36: {  	p1 =	seq.s32 s10, $0x1;
	s10 =	sld [smem:$0x3FAE];
	_ =	sdelay $0x3  }
0x37: {  	[smem:$0x3FAE] =	sst s10  }
0x38: {  	s10 =	sld [smem:$0x3FAF]  }
0x39: {  	_ = 	snop;
	(pc) =	sbr.ind lr, $3  }
0x3a: {  	_ = 	snop  }
0x3b: {  	_ = 	snop  }
0x3c: {  	p2 =	seq.s32 s10, $0x1;
	s10 =	sld [smem:$0x3FAE]  }
0x3d: {  	_ =	shalt  }
0x3e: {  	_ =	shalt  }
0x3f: {  	_ =	shalt  }
0x40: {  	_ =	shalt  }
0x41: {  	_ =	shalt  }
0x42: {  	_ =	shalt  }
0x43: {  	_ =	shalt  }
0x44: {  	_ =	shalt  }
0x45: {  	_ =	shalt  }
0x46: {  	_ =	shalt  }
0x47: {  	_ =	shalt  }
0x48: {  	_ =	shalt  }
0x49: {  	_ =	shalt  }
0x4a: {  	_ =	shalt  }
0x4b: {  	_ =	shalt  }
0x4c: {  	_ =	shalt  }
0x4d: {  	_ =	shalt  }
0x4e: {  	_ =	shalt  }
0x4f: {  	_ =	shalt  }
0x50: {  	_ =	shalt  }
0x51: {  	_ =	shalt  }
0x52: {  	_ =	shalt  }
0x53: {  	_ =	shalt  }
0x54: {  	_ =	shalt  }
0x55: {  	_ =	shalt  }
0x56: {  	_ =	shalt  }
0x57: {  	_ =	shalt  }
0x58: {  	_ =	shalt  }
0x59: {  	_ =	shalt  }
0x5a: {  	_ =	shalt  }
0x5b: {  	_ =	shalt  }
0x5c: {  	_ =	shalt  }
0x5d: {  	_ =	shalt  }
0x5e: {  	_ =	shalt  }
0x5f: {  	_ =	shalt  }
0x60: {  	_ =	shalt  }
0x61: {  	_ =	shalt  }
0x62: {  	_ =	shalt  }
0x63: {  	_ =	shalt  }
0x64: {  	_ =	shalt  }
0x65: {  	_ =	shalt  }
0x66: {  	_ =	shalt  }
0x67: {  	_ =	shalt  }
0x68: {  	_ =	shalt  }
0x69: {  	_ =	shalt  }
0x6a: {  	_ =	shalt  }
0x6b: {  	_ =	shalt  }
0x6c: {  	_ =	shalt  }
0x6d: {  	_ =	shalt  }
0x6e: {  	_ =	shalt  }
0x6f: {  	_ =	shalt  }
0x70: {  	_ =	shalt  }
0x71: {  	_ =	shalt  }
0x72: {  	_ =	shalt  }
0x73: {  	_ =	shalt  }
0x74: {  	_ =	shalt  }
0x75: {  	_ =	shalt  }
0x76: {  	_ =	shalt  }
0x77: {  	_ =	shalt  }
0x78: {  	_ =	shalt  }
0x79: {  	_ =	shalt  }
0x7a: {  	_ =	shalt  }
0x7b: {  	_ =	shalt  }
0x7c: {  	_ =	shalt  }
0x7d: {  	_ =	shalt  }
0x7e: {  	_ =	shalt  }
0x7f: {  	_ =	shalt  }
0x80: {  	_ =	shalt  }
0x81: {  	_ =	shalt  }
0x82: {  	_ =	shalt  }
0x83: {  	_ =	shalt  }
0x84: {  	_ =	shalt  }
0x85: {  	_ =	shalt  }
0x86: {  	_ =	shalt  }
0x87: {  	_ =	shalt  }
.Lfunc_end0:
.L_simem_size_0:
called_computation_lowered:
.L_overlay_start_0:
0x88: {  	s2 =	sld [smem:$0x3FD9]  }
0x89: {  	s3 =	sld [smem:$0x3FFE];
	_ =	sdelay $0x1  }
0x8a: {  	s1 =	srdreg.scid  }
0x8b: {  	s0 =	sand.u32 $0x1, s1  }
0x8c: {  	s17 =	sshll.u32 s0, $0xA;
	s2 =	sadd.s32 s3, s2  }
0x8d: {  	s2 =	sadd.s32 s2, s17  }
0x8e: {  	[smem:$0x3FBA] =	sst s2  }
0x8f: {  	_ = 	snop  }
0x90: {  	s2 =	sld [smem:$0x3FC9]  }
0x91: {  	s18 =	sld [smem:$0x3FC8];
	(tm) =	ssettm $0x1  }
0x92: {  	s4 =	sld [smem:$0x3FFB];
	_ =	sdelay $0x3  }
0x93: {  	_ =	strace s4  }
0x94: {  	s4 =	sld [smem:$0x3FFC];
	_ =	sdelay $0x3  }
0x95: {  	_ =	strace s4  }
0x96: {  	s4 =	sld [smem:$0x3FFD];
	_ =	sdelay $0x3  }
0x97: {  	_ =	strace s4  }
0x98: {  	_ =	strace $0x8FFFFFFF  }
0x99: {  	s19 =	sld [smem:$0x3FDB];
	_ =	sdelay $0x1  }
0x9a: {  	s5 =	simm.s32 $_scs_section_size  }
0x9b: {  	s6 =	simm.s32 $_size__tile_overlayer_lowered;
	s7 =	simm.s32 $_tile_overlayer_lowered  }
0x9c: {  	s22 =	simm.s32 $0x1BFF;
	s21 =	sshll.u32 s7, $0x1;
	s4 =	sadd.s32 s5, s19  }
0x9d: {  	s8 =	simm.s32 $0x0;
	s20 =	sshll.u32 s6, $0x1;
	s6 =	sadd.s32 s21, s4  }
0x9e: {  	[timem:s8], [sflag:s22] =	dma.local [hbm:s6], s20  }
0x9f: {  	_ =	swait.ge [sflag:s22], s20  }
0xa0: {  	s5 =	ssub.s32 $0x0, s20;
	[sflag:s22] =	ssyncset.done $0x0  }
0xa1: {  	[sflag:s22] =	ssyncadd.s32 s5;
	_ =	sdelay $0x1  }
0xa2: {  	s23 =	simm.s32 $0x1B8B  }
0xa3: {  	_ =	swait.ge [sflag:s23], $0x1  }
0xa4: {  	[sflag:s23] =	ssyncset.done $0x0  }
0xa5: {  	s25 =	simm.s32 $0x1B8E;
	s24 =	sld [smem:$0x3FFE];
	[sflag:s23] =	ssyncadd.s32 $0xFFFFFFFF  }
0xa6: {  	s26 =	simm.s32 $execute0_lowered;
	[smem:$0x3FD2] =	sst s25  }
0xa7: {  	s6 =	sshll.u32 s26, $0x1;
	_ =	strace $0x80000046;
	[dreg:$0x1] =	wrdreg $0xFFFFFFFF  }
0xa8: {  	s28 =	simm.s32 $_size_execute0_lowered;
	s4 =	sadd.s32 s4, s6;
	[dreg:$0x0] =	wrdreg $0x0  }
0xa9: {  	s6 =	sshll.u32 s28, $0x1;
	[dreg:$0x2] =	wrdreg s4  }
0xaa: {  	[dreg:$0x3] =	wrdreg s6  }
0xab: {  	[dreg:$0x4] =	wrdreg $0xC0  }
0xac: {  	_ =	task [dreg:s8], $0x5FFFF  }
0xad: {  	[dreg:$0x1] =	wrdreg $0xFFFFFFFF  }
0xae: {  	[dreg:$0x0] =	wrdreg $0x60  }
0xaf: {  	[dreg:$0x2] =	wrdreg s2  }
0xb0: {  	[dreg:$0x3] =	wrdreg s18  }
0xb1: {  	[dreg:$0x4] =	wrdreg s24  }
0xb2: {  	[dreg:$0x5] =	wrdreg $0x9  }
0xb3: {  	_ =	task.clear_ibuf [dreg:s8], $0x6FFFF;
	_ =	strace $0x90000046  }
0xb4: {  	s29 =	simm.s32 $0x9;
	_ =	strace $0x80000048  }
0xb5: {  	_ =	swait.ge [sflag:s29], $0x1  }
0xb6: {  	[sflag:s29] =	ssyncadd.s32 $0xFFFFFFFF  }
0xb7: {  	_ =	strace $0x90000048  }
0xb8: {  	_ =	sfence  }
0xb9: {  	s30 =	sld [smem:$0x0];
	_ =	sdelay $0x2  }
0xba: {  	s31 =	sshll.u32 s1, $0xD;
	s1 =	sshrl.u32 s1, $0x2  }
0xbb: {  	s3 =	sand.u32 $0x4000, s31;
	s1 =	sadd.s32 s1, s30  }
0xbc: {  	s0 =	sor.u32 s3, s0;
	s1 =	sshll.u32 s1, $0x11  }
0xbd: {  	s0 =	sor.u32 s1, s0  }
0xbe: {  	s0 =	sadd.s32 $0x8F2B, s0  }
0xbf: {  	[sflag:s0] =	ssyncadd.remote.s32 $0x1  }
0xc0: {  	_ =	sfence.sel $0xFFFF  }
0xc1: {  	[dreg:$0x0] =	wrdreg $0xFFFFFFFF;
	(pc) =	sbr.abs _section_cstart, $3  }
0xc2: {  	[dreg:$0x1] =	wrdreg $0xFFFFFFFF  }
0xc3: {  	_ =	task.clear_ibuf [dreg:s8], $0x2FFFF;
	_ =	strace $0x9FFFFFFF  }
0xc4: {  	(tm) =	ssettm $0x7FFFFFFF  }
0xc5: {  	_ =	shalt  }
tec
execute0_lowered:
.L_overlay_start_1:
0x0: {  	(tag) =	ssettag $0x1  }
0x1: {  	s0 =	rddreg [dreg:$0x0]  }
0x2: {  	s1 =	rddreg [dreg:$0x1]  }
0x3: {  	s3 =	rddreg [dreg:$0x2];
	s4 =	srdreg.scid;
	s2 =	simm.s32 $0x0  }
0x4: {  	s5 =	stileid.u32;
	s14 =	simm.s32 $0x200;
	s13 =	simm.s32 $0x80  }
0x5: {  	s15 =	simm.s32 $0x280;
	s18 =	simm.s32 $0x2C00;
	s19 =	simm.s32 $0x6400  }
0x6: {  	s20 =	simm.s32 $0xE400;
	s16 =	simm.s32 $0x100;
	s17 =	simm.s32 $0x300  }
0x7: {  	s21 =	simm.s32 $0x180;
	p0 =	por $0x0, $0x0;
	s28 =	simm.s32 $0x1C00  }
0x8: {  	s29 =	simm.s32 $0x3C00;
	s30 =	simm.s32 $0xA400;
	s31 =	simm.s32 $0x12400  }
0x9: {  	s4 =	sand.u32 $0x1, s4;
	[smem:$0x7FF] =	sst s2;
	s8 =	sadd.s32 $0x206E800, s3  }
0xa: {  	s5 =	sshll.u32 s5, $0xA;
	s9 =	sadd.s32 $0x1E86200, s3;
	s11 =	sadd.s32 $0x16E5000, s3  }
0xb: {  	s12 =	sadd.s32 $0xF43E00, s3;
	s6 =	sshll.u32 s4, $0x9;
	s4 =	ssub.s32 $0x2, s4  }
0xc: {  	_ =	strace $0x80000047;
	s5 =	sor.u32 s6, s5;
	s26 =	sshrl.u32 s4, $0x1  }
0xd: {  	s6 =	sshll.u32 s5, $0x1;
	s7 =	sshrl.u32 s5, $0x3;
	s5 =	sshll.u32 s5, $0x3  }
0xe: {  	s4 =	ssub.s32 s4, s26;
	s26 =	simm.s32 $0xC00;
	s6 =	sadd.s32 s6, s3  }
0xf: {  	s0 =	sadd.s32 s0, s7;
	s22 =	sadd.s32 s1, s7;
	s23 =	sadd.s32 s5, s3  }
0x10: {  	s10 =	smax.u32 s4, $0x1;
	s3 =	simm.s32 $0x2;
	[dreg:$0xa] =	wrdreg s26  }
0x11: {  	s5 =	simm.s32 $0x4400;
	s4 =	simm.s32 $0xC400;
	[dreg:$0x4] =	wrdreg s0  }
0x12: {  	s26 =	simm.s32 $0x380;
	[dreg:$0x5] =	wrdreg s22;
	s24 =	sadd.s32 $0x49A00, s6  }
0x13: {  	s25 =	sadd.s32 $0x41A00, s6;
	s6 =	sadd.s32 $0x21A00, s23;
	p1 =	sne.s32 s10, $0x1  }
.Ltmp0:
0x14: {  	s7 =	sadd.s32 $0x1A00, s23;
	[dreg:$0x6] =	wrdreg s24;
	(pc) =	sbr.rel @!p1 .LBB2_3-.Ltmp0, $4  }
0x15: {  	s22 =	simm.s32 $0x1400;
	s23 =	simm.s32 $0x3400;
	[dreg:$0x7] =	wrdreg s25  }
0x16: {  	s0 =	sadd.s32 $0xFFFFFFFF, s10;
	s10 =	simm.s32 $0x1;
	[dreg:$0x8] =	wrdreg s6  }
0x17: {  	[dreg:$0x9] =	wrdreg s7;
	s7 =	simm.s32 $0x400;
	s6 =	simm.s32 $0x2400  }
0x18: {  	s24 =	simm.s32 $0x8400;
	s25 =	simm.s32 $0x10400;
	s1 =	rddreg [dreg:$0x4]  }
0x19: {  	[tilespmem:s2], [sflag:$0x2] =	stream.linear.gather [hbm4b:s1+s2], $0x200, $0x38;
	[tilespmem:$0x14400] =	vst v63  }
0x1a: {  	_ =	swait.ge [sflag:s3], $0x200  }
0x1b: {  	[sflag:s3] =	ssyncset.done $0x0  }
0x1c: {  	s1 =	rddreg [dreg:$0x5];
	[sflag:s3] =	ssyncadd.s32 $0xFFFFFE00  }
0x1d: {  	[tilespmem:s14], [sflag:$0x2] =	stream.linear.gather [hbm4b:s1+s2], $0x200, $0x38;
	[tilespmem:$0x14400] =	vst v63  }
0x1e: {  	_ =	swait.ge [sflag:s3], $0x200  }
0x1f: {  	[sflag:s3] =	ssyncset.done $0x0  }
0x20: {  	[sflag:s3] =	ssyncadd.s32 $0xFFFFFE00  }
0x21: {  	[tilespmem:s7], [sflag:$0x1] =	stream.indirect.gather [hbm4b:s8+s13], $0x10, s2, s13, $0xb8;
	[tilespmem:$0x14400] =	vst v63  }
0x22: {  	_ = 	snop  }
0x23: {  	[tilespmem:s6], [sflag:$0x1] =	stream.indirect.gather [hbm4b:s9+s13], $0x10, s14, s13, $0xb8;
	[tilespmem:$0x14400] =	vst v63  }
0x24: {  	_ = 	snop  }
0x25: {  	[tilespmem:s5], [sflag:$0x1] =	stream.indirect.gather [hbm4b:s11+s13], $0x40, s2, s13, $0xb8;
	[tilespmem:$0x14400] =	vst v63  }
0x26: {  	_ = 	snop  }
0x27: {  	[tilespmem:s4], [sflag:$0x1] =	stream.indirect.gather [hbm4b:s12+s13], $0x40, s14, s13, $0xb8;
	[tilespmem:$0x14400] =	vst v63  }
0x28: {  	s1 =	rddreg [dreg:$0xa]  }
0x29: {  	[tilespmem:s1], [sflag:$0x1] =	stream.indirect.gather [hbm4b:s8+s13], $0x10, s13, s13, $0xb8;
	[tilespmem:$0x14400] =	vst v63  }
0x2a: {  	_ = 	snop  }
0x2b: {  	[tilespmem:s18], [sflag:$0x1] =	stream.indirect.gather [hbm4b:s9+s13], $0x10, s15, s13, $0xb8;
	[tilespmem:$0x14400] =	vst v63  }
0x2c: {  	_ = 	snop  }
0x2d: {  	[tilespmem:s19], [sflag:$0x1] =	stream.indirect.gather [hbm4b:s11+s13], $0x40, s13, s13, $0xb8;
	[tilespmem:$0x14400] =	vst v63  }
0x2e: {  	_ = 	snop  }
0x2f: {  	[tilespmem:s20], [sflag:$0x1] =	stream.indirect.gather [hbm4b:s12+s13], $0x40, s15, s13, $0xb8;
	[tilespmem:$0x14400] =	vst v63  }
0x30: {  	_ = 	snop  }
0x31: {  	[tilespmem:s22], [sflag:$0x1] =	stream.indirect.gather [hbm4b:s8+s13], $0x10, s16, s13, $0xb8;
	[tilespmem:$0x14400] =	vst v63  }
0x32: {  	_ = 	snop  }
0x33: {  	[tilespmem:s23], [sflag:$0x1] =	stream.indirect.gather [hbm4b:s9+s13], $0x10, s17, s13, $0xb8;
	[tilespmem:$0x14400] =	vst v63  }
0x34: {  	_ = 	snop  }
0x35: {  	[tilespmem:s24], [sflag:$0x1] =	stream.indirect.gather [hbm4b:s11+s13], $0x40, s16, s13, $0xb8;
	[tilespmem:$0x14400] =	vst v63  }
0x36: {  	_ = 	snop  }
0x37: {  	[tilespmem:s25], [sflag:$0x1] =	stream.indirect.gather [hbm4b:s12+s13], $0x40, s17, s13, $0xb8;
	[tilespmem:$0x14400] =	vst v63  }
0x38: {  	_ = 	snop  }
0x39: {  	[tilespmem:s28], [sflag:$0x1] =	stream.indirect.gather [hbm4b:s8+s13], $0x10, s21, s13, $0xb8;
	[tilespmem:$0x14400] =	vst v63  }
0x3a: {  	_ = 	snop  }
0x3b: {  	[tilespmem:s29], [sflag:$0x1] =	stream.indirect.gather [hbm4b:s9+s13], $0x10, s26, s13, $0xb8;
	[tilespmem:$0x14400] =	vst v63  }
0x3c: {  	_ = 	snop  }
0x3d: {  	[tilespmem:s30], [sflag:$0x1] =	stream.indirect.gather [hbm4b:s11+s13], $0x40, s21, s13, $0xb8;
	[tilespmem:$0x14400] =	vst v63  }
0x3e: {  	_ = 	snop  }
0x3f: {  	[tilespmem:s31], [sflag:$0x1] =	stream.indirect.gather [hbm4b:s12+s13], $0x40, s26, s13, $0xb8;
	[tilespmem:$0x14400] =	vst v63  }
0x40: {  	_ =	swait.ge [sflag:s10], $0x800  }
0x41: {  	[sflag:s10] =	ssyncset.done $0x0  }
0x42: {  	[sflag:s10] =	ssyncadd.s32 $0xFFFFF800  }
0x43: {  	_ =	swait.ge [sflag:s10], $0x800  }
0x44: {  	[sflag:s10] =	ssyncset.done $0x0  }
0x45: {  	[sflag:s10] =	ssyncadd.s32 $0xFFFFF800  }
0x46: {  	_ =	swait.ge [sflag:s10], $0x2000  }
0x47: {  	[sflag:s10] =	ssyncset.done $0x0  }
0x48: {  	[sflag:s10] =	ssyncadd.s32 $0xFFFFE000  }
0x49: {  	_ =	swait.ge [sflag:s10], $0x2000  }
0x4a: {  	[sflag:s10] =	ssyncset.done $0x0  }
0x4b: {  	[sflag:s10] =	ssyncadd.s32 $0xFFFFE000  }
0x4c: {  	_ =	swait.ge [sflag:s10], $0x800  }
0x4d: {  	[sflag:s10] =	ssyncset.done $0x0  }
0x4e: {  	[sflag:s10] =	ssyncadd.s32 $0xFFFFF800  }
0x4f: {  	_ =	swait.ge [sflag:s10], $0x800  }
0x50: {  	[sflag:s10] =	ssyncset.done $0x0  }
0x51: {  	[sflag:s10] =	ssyncadd.s32 $0xFFFFF800  }
0x52: {  	_ =	swait.ge [sflag:s10], $0x2000  }
0x53: {  	[sflag:s10] =	ssyncset.done $0x0  }
0x54: {  	[sflag:s10] =	ssyncadd.s32 $0xFFFFE000  }
0x55: {  	_ =	swait.ge [sflag:s10], $0x2000  }
0x56: {  	[sflag:s10] =	ssyncset.done $0x0  }
0x57: {  	[sflag:s10] =	ssyncadd.s32 $0xFFFFE000  }
0x58: {  	_ =	swait.ge [sflag:s10], $0x800  }
0x59: {  	[sflag:s10] =	ssyncset.done $0x0  }
0x5a: {  	[sflag:s10] =	ssyncadd.s32 $0xFFFFF800  }
0x5b: {  	_ =	swait.ge [sflag:s10], $0x800  }
0x5c: {  	[sflag:s10] =	ssyncset.done $0x0  }
0x5d: {  	[sflag:s10] =	ssyncadd.s32 $0xFFFFF800  }
0x5e: {  	_ =	swait.ge [sflag:s10], $0x2000  }
0x5f: {  	[sflag:s10] =	ssyncset.done $0x0  }
0x60: {  	[sflag:s10] =	ssyncadd.s32 $0xFFFFE000  }
0x61: {  	_ =	swait.ge [sflag:s10], $0x2000  }
0x62: {  	[sflag:s10] =	ssyncset.done $0x0  }
0x63: {  	[sflag:s10] =	ssyncadd.s32 $0xFFFFE000  }
0x64: {  	_ =	swait.ge [sflag:s10], $0x800  }
0x65: {  	[sflag:s10] =	ssyncset.done $0x0  }
0x66: {  	[sflag:s10] =	ssyncadd.s32 $0xFFFFF800  }
0x67: {  	_ =	swait.ge [sflag:s10], $0x800  }
0x68: {  	[sflag:s10] =	ssyncset.done $0x0  }
0x69: {  	[sflag:s10] =	ssyncadd.s32 $0xFFFFF800  }
0x6a: {  	_ =	swait.ge [sflag:s10], $0x2000  }
0x6b: {  	[sflag:s10] =	ssyncset.done $0x0  }
0x6c: {  	[sflag:s10] =	ssyncadd.s32 $0xFFFFE000  }
0x6d: {  	_ =	swait.ge [sflag:s10], $0x2000  }
0x6e: {  	[sflag:s10] =	ssyncset.done $0x0  }
0x6f: {  	s1 =	rddreg [dreg:$0x6];
	[sflag:s10] =	ssyncadd.s32 $0xFFFFE000  }
0x70: {  	[hbm4b:s1+s2] =	stream.linear.scatter [tilespmem:s7], [sflag:$0x2], $0x2000, $0x38;
	[tilespmem:$0x14400] =	vst v63  }
0x71: {  	_ =	swait.ge [sflag:s3], $0x2000  }
0x72: {  	[sflag:s3] =	ssyncset.done $0x0  }
0x73: {  	s1 =	rddreg [dreg:$0x7];
	[sflag:s3] =	ssyncadd.s32 $0xFFFFE000  }
0x74: {  	[hbm4b:s1+s2] =	stream.linear.scatter [tilespmem:s6], [sflag:$0x2], $0x2000, $0x38;
	[tilespmem:$0x14400] =	vst v63  }
0x75: {  	_ =	swait.ge [sflag:s3], $0x2000  }
0x76: {  	[sflag:s3] =	ssyncset.done $0x0  }
0x77: {  	s1 =	rddreg [dreg:$0x8];
	[sflag:s3] =	ssyncadd.s32 $0xFFFFE000  }
0x78: {  	[hbm4b:s1+s2] =	stream.linear.scatter [tilespmem:s5], [sflag:$0x2], $0x8000, $0x38;
	[tilespmem:$0x14400] =	vst v63  }
0x79: {  	p1 =	sne.s32 s0, $0x1;
	_ =	swait.ge [sflag:s3], $0x8000  }
.Ltmp1:
0x7a: {  	[sflag:s3] =	ssyncset.done $0x0;
	(pc) =	sbr.rel @!p1 .LBB2_3-.Ltmp1, $4  }
0x7b: {  	s1 =	rddreg [dreg:$0x9];
	[sflag:s3] =	ssyncadd.s32 $0xFFFF8000  }
0x7c: {  	[hbm4b:s1+s2] =	stream.linear.scatter [tilespmem:s4], [sflag:$0x2], $0x8000, $0x38;
	[tilespmem:$0x14400] =	vst v63  }
0x7d: {  	s0 =	sadd.s32 $0xFFFFFFFF, s0;
	_ =	swait.ge [sflag:s3], $0x8000  }
0x7e: {  	p0 =	por $0x1, $0x1;
	s1 =	rddreg [dreg:$0x4];
	[sflag:s3] =	ssyncset.done $0x0  }
.LBB2_2:
0x7f: {  	[sflag:s3] =	ssyncadd.s32 $0xFFFF8000  }
0x80: {  	[tilespmem:s2], [sflag:$0x2] =	stream.linear.gather [hbm4b:s1+s2], $0x200, $0x38;
	[tilespmem:$0x14400] =	vst v63  }
0x81: {  	_ =	swait.ge [sflag:s3], $0x200  }
0x82: {  	[sflag:s3] =	ssyncset.done $0x0  }
0x83: {  	s1 =	rddreg [dreg:$0x5];
	[sflag:s3] =	ssyncadd.s32 $0xFFFFFE00  }
0x84: {  	[tilespmem:s14], [sflag:$0x2] =	stream.linear.gather [hbm4b:s1+s2], $0x200, $0x38;
	[tilespmem:$0x14400] =	vst v63  }
0x85: {  	_ =	swait.ge [sflag:s3], $0x200  }
0x86: {  	[sflag:s3] =	ssyncset.done $0x0  }
0x87: {  	[sflag:s3] =	ssyncadd.s32 $0xFFFFFE00  }
0x88: {  	[tilespmem:s7], [sflag:$0x1] =	stream.indirect.gather [hbm4b:s8+s13], $0x10, s2, s13, $0xb8;
	[tilespmem:$0x14400] =	vst v63  }
0x89: {  	_ = 	snop  }
0x8a: {  	[tilespmem:s6], [sflag:$0x1] =	stream.indirect.gather [hbm4b:s9+s13], $0x10, s14, s13, $0xb8;
	[tilespmem:$0x14400] =	vst v63  }
0x8b: {  	_ = 	snop  }
0x8c: {  	[tilespmem:s5], [sflag:$0x1] =	stream.indirect.gather [hbm4b:s11+s13], $0x40, s2, s13, $0xb8;
	[tilespmem:$0x14400] =	vst v63  }
0x8d: {  	_ = 	snop  }
0x8e: {  	[tilespmem:s4], [sflag:$0x1] =	stream.indirect.gather [hbm4b:s12+s13], $0x40, s14, s13, $0xb8;
	[tilespmem:$0x14400] =	vst v63  }
0x8f: {  	s1 =	rddreg [dreg:$0xa]  }
0x90: {  	[tilespmem:s1], [sflag:$0x1] =	stream.indirect.gather [hbm4b:s8+s13], $0x10, s13, s13, $0xb8;
	[tilespmem:$0x14400] =	vst v63  }
0x91: {  	_ = 	snop  }
0x92: {  	[tilespmem:s18], [sflag:$0x1] =	stream.indirect.gather [hbm4b:s9+s13], $0x10, s15, s13, $0xb8;
	[tilespmem:$0x14400] =	vst v63  }
0x93: {  	_ = 	snop  }
0x94: {  	[tilespmem:s19], [sflag:$0x1] =	stream.indirect.gather [hbm4b:s11+s13], $0x40, s13, s13, $0xb8;
	[tilespmem:$0x14400] =	vst v63  }
0x95: {  	_ = 	snop  }
0x96: {  	[tilespmem:s20], [sflag:$0x1] =	stream.indirect.gather [hbm4b:s12+s13], $0x40, s15, s13, $0xb8;
	[tilespmem:$0x14400] =	vst v63  }
0x97: {  	_ = 	snop  }
0x98: {  	[tilespmem:s22], [sflag:$0x1] =	stream.indirect.gather [hbm4b:s8+s13], $0x10, s16, s13, $0xb8;
	[tilespmem:$0x14400] =	vst v63  }
0x99: {  	_ = 	snop  }
0x9a: {  	[tilespmem:s23], [sflag:$0x1] =	stream.indirect.gather [hbm4b:s9+s13], $0x10, s17, s13, $0xb8;
	[tilespmem:$0x14400] =	vst v63  }
0x9b: {  	_ = 	snop  }
0x9c: {  	[tilespmem:s24], [sflag:$0x1] =	stream.indirect.gather [hbm4b:s11+s13], $0x40, s16, s13, $0xb8;
	[tilespmem:$0x14400] =	vst v63  }
0x9d: {  	_ = 	snop  }
0x9e: {  	[tilespmem:s25], [sflag:$0x1] =	stream.indirect.gather [hbm4b:s12+s13], $0x40, s17, s13, $0xb8;
	[tilespmem:$0x14400] =	vst v63  }
0x9f: {  	_ = 	snop  }
0xa0: {  	[tilespmem:s28], [sflag:$0x1] =	stream.indirect.gather [hbm4b:s8+s13], $0x10, s21, s13, $0xb8;
	[tilespmem:$0x14400] =	vst v63  }
0xa1: {  	_ = 	snop  }
0xa2: {  	[tilespmem:s29], [sflag:$0x1] =	stream.indirect.gather [hbm4b:s9+s13], $0x10, s26, s13, $0xb8;
	[tilespmem:$0x14400] =	vst v63  }
0xa3: {  	_ = 	snop  }
0xa4: {  	[tilespmem:s30], [sflag:$0x1] =	stream.indirect.gather [hbm4b:s11+s13], $0x40, s21, s13, $0xb8;
	[tilespmem:$0x14400] =	vst v63  }
0xa5: {  	_ = 	snop  }
0xa6: {  	[tilespmem:s31], [sflag:$0x1] =	stream.indirect.gather [hbm4b:s12+s13], $0x40, s26, s13, $0xb8;
	[tilespmem:$0x14400] =	vst v63  }
0xa7: {  	_ =	swait.ge [sflag:s10], $0x800  }
0xa8: {  	[sflag:s10] =	ssyncset.done $0x0  }
0xa9: {  	[sflag:s10] =	ssyncadd.s32 $0xFFFFF800  }
0xaa: {  	_ =	swait.ge [sflag:s10], $0x800  }
0xab: {  	[sflag:s10] =	ssyncset.done $0x0  }
0xac: {  	[sflag:s10] =	ssyncadd.s32 $0xFFFFF800  }
0xad: {  	_ =	swait.ge [sflag:s10], $0x2000  }
0xae: {  	[sflag:s10] =	ssyncset.done $0x0  }
0xaf: {  	[sflag:s10] =	ssyncadd.s32 $0xFFFFE000  }
0xb0: {  	_ =	swait.ge [sflag:s10], $0x2000  }
0xb1: {  	[sflag:s10] =	ssyncset.done $0x0  }
0xb2: {  	[sflag:s10] =	ssyncadd.s32 $0xFFFFE000  }
0xb3: {  	_ =	swait.ge [sflag:s10], $0x800  }
0xb4: {  	[sflag:s10] =	ssyncset.done $0x0  }
0xb5: {  	[sflag:s10] =	ssyncadd.s32 $0xFFFFF800  }
0xb6: {  	_ =	swait.ge [sflag:s10], $0x800  }
0xb7: {  	[sflag:s10] =	ssyncset.done $0x0  }
0xb8: {  	[sflag:s10] =	ssyncadd.s32 $0xFFFFF800  }
0xb9: {  	_ =	swait.ge [sflag:s10], $0x2000  }
0xba: {  	[sflag:s10] =	ssyncset.done $0x0  }
0xbb: {  	[sflag:s10] =	ssyncadd.s32 $0xFFFFE000  }
0xbc: {  	_ =	swait.ge [sflag:s10], $0x2000  }
0xbd: {  	[sflag:s10] =	ssyncset.done $0x0  }
0xbe: {  	[sflag:s10] =	ssyncadd.s32 $0xFFFFE000  }
0xbf: {  	_ =	swait.ge [sflag:s10], $0x800  }
0xc0: {  	[sflag:s10] =	ssyncset.done $0x0  }
0xc1: {  	[sflag:s10] =	ssyncadd.s32 $0xFFFFF800  }
0xc2: {  	_ =	swait.ge [sflag:s10], $0x800  }
0xc3: {  	[sflag:s10] =	ssyncset.done $0x0  }
0xc4: {  	[sflag:s10] =	ssyncadd.s32 $0xFFFFF800  }
0xc5: {  	_ =	swait.ge [sflag:s10], $0x2000  }
0xc6: {  	[sflag:s10] =	ssyncset.done $0x0  }
0xc7: {  	[sflag:s10] =	ssyncadd.s32 $0xFFFFE000  }
0xc8: {  	_ =	swait.ge [sflag:s10], $0x2000  }
0xc9: {  	[sflag:s10] =	ssyncset.done $0x0  }
0xca: {  	[sflag:s10] =	ssyncadd.s32 $0xFFFFE000  }
0xcb: {  	_ =	swait.ge [sflag:s10], $0x800  }
0xcc: {  	[sflag:s10] =	ssyncset.done $0x0  }
0xcd: {  	[sflag:s10] =	ssyncadd.s32 $0xFFFFF800  }
0xce: {  	_ =	swait.ge [sflag:s10], $0x800  }
0xcf: {  	[sflag:s10] =	ssyncset.done $0x0  }
0xd0: {  	[sflag:s10] =	ssyncadd.s32 $0xFFFFF800  }
0xd1: {  	_ =	swait.ge [sflag:s10], $0x2000  }
0xd2: {  	[sflag:s10] =	ssyncset.done $0x0  }
0xd3: {  	[sflag:s10] =	ssyncadd.s32 $0xFFFFE000  }
0xd4: {  	_ =	swait.ge [sflag:s10], $0x2000  }
0xd5: {  	[sflag:s10] =	ssyncset.done $0x0  }
0xd6: {  	s1 =	rddreg [dreg:$0x6];
	[sflag:s10] =	ssyncadd.s32 $0xFFFFE000  }
0xd7: {  	[hbm4b:s1+s2] =	stream.linear.scatter [tilespmem:s7], [sflag:$0x2], $0x2000, $0x38;
	[tilespmem:$0x14400] =	vst v63  }
0xd8: {  	_ =	swait.ge [sflag:s3], $0x2000  }
0xd9: {  	[sflag:s3] =	ssyncset.done $0x0  }
0xda: {  	s1 =	rddreg [dreg:$0x7];
	[sflag:s3] =	ssyncadd.s32 $0xFFFFE000  }
0xdb: {  	[hbm4b:s1+s2] =	stream.linear.scatter [tilespmem:s6], [sflag:$0x2], $0x2000, $0x38;
	[tilespmem:$0x14400] =	vst v63  }
0xdc: {  	_ =	swait.ge [sflag:s3], $0x2000  }
0xdd: {  	[sflag:s3] =	ssyncset.done $0x0  }
0xde: {  	s1 =	rddreg [dreg:$0x8];
	[sflag:s3] =	ssyncadd.s32 $0xFFFFE000  }
0xdf: {  	[hbm4b:s1+s2] =	stream.linear.scatter [tilespmem:s5], [sflag:$0x2], $0x8000, $0x38;
	[tilespmem:$0x14400] =	vst v63  }
0xe0: {  	p1 =	sne.s32 s0, $0x1;
	_ =	swait.ge [sflag:s3], $0x8000  }
.Ltmp2:
0xe1: {  	[sflag:s3] =	ssyncset.done $0x0;
	(pc) =	sbr.rel @p1 .LBB2_2-.Ltmp2, $4  }
0xe2: {  	s1 =	rddreg [dreg:$0x9];
	[sflag:s3] =	ssyncadd.s32 $0xFFFF8000  }
0xe3: {  	[hbm4b:s1+s2] =	stream.linear.scatter [tilespmem:s4], [sflag:$0x2], $0x8000, $0x38;
	[tilespmem:$0x14400] =	vst v63  }
0xe4: {  	_ =	swait.ge [sflag:s3], $0x8000  }
0xe5: {  	s0 =	sadd.s32 $0xFFFFFFFF, s0;
	s1 =	rddreg [dreg:$0x4];
	[sflag:s3] =	ssyncset.done $0x0  }
.LBB2_3:
0xe6: {  	[sflag:s3] =	ssyncadd.s32 @p0 $0xFFFF8000  }
0xe7: {  	[tilespmem:s2], [sflag:$0x2] =	stream.linear.gather [hbm4b:s1+s2], $0x200, $0x38;
	[tilespmem:$0x14400] =	vst v63  }
0xe8: {  	_ =	swait.ge [sflag:s3], $0x200  }
0xe9: {  	[sflag:s3] =	ssyncset.done $0x0  }
0xea: {  	s0 =	rddreg [dreg:$0x5];
	[sflag:s3] =	ssyncadd.s32 $0xFFFFFE00  }
0xeb: {  	[tilespmem:s14], [sflag:$0x2] =	stream.linear.gather [hbm4b:s0+s2], $0x200, $0x38;
	[tilespmem:$0x14400] =	vst v63  }
0xec: {  	_ =	swait.ge [sflag:s3], $0x200  }
0xed: {  	[sflag:s3] =	ssyncset.done $0x0  }
0xee: {  	[sflag:s3] =	ssyncadd.s32 $0xFFFFFE00  }
0xef: {  	[tilespmem:s7], [sflag:$0x1] =	stream.indirect.gather [hbm4b:s8+s13], $0x10, s2, s13, $0xb8;
	[tilespmem:$0x14400] =	vst v63  }
0xf0: {  	_ = 	snop  }
0xf1: {  	[tilespmem:s6], [sflag:$0x1] =	stream.indirect.gather [hbm4b:s9+s13], $0x10, s14, s13, $0xb8;
	[tilespmem:$0x14400] =	vst v63  }
0xf2: {  	_ = 	snop  }
0xf3: {  	[tilespmem:s5], [sflag:$0x1] =	stream.indirect.gather [hbm4b:s11+s13], $0x40, s2, s13, $0xb8;
	[tilespmem:$0x14400] =	vst v63  }
0xf4: {  	_ = 	snop  }
0xf5: {  	[tilespmem:s4], [sflag:$0x1] =	stream.indirect.gather [hbm4b:s12+s13], $0x40, s14, s13, $0xb8;
	[tilespmem:$0x14400] =	vst v63  }
0xf6: {  	s1 =	rddreg [dreg:$0xa]  }
0xf7: {  	[tilespmem:s1], [sflag:$0x1] =	stream.indirect.gather [hbm4b:s8+s13], $0x10, s13, s13, $0xb8;
	[tilespmem:$0x14400] =	vst v63  }
0xf8: {  	_ = 	snop  }
0xf9: {  	[tilespmem:s18], [sflag:$0x1] =	stream.indirect.gather [hbm4b:s9+s13], $0x10, s15, s13, $0xb8;
	[tilespmem:$0x14400] =	vst v63  }
0xfa: {  	_ = 	snop  }
0xfb: {  	[tilespmem:s19], [sflag:$0x1] =	stream.indirect.gather [hbm4b:s11+s13], $0x40, s13, s13, $0xb8;
	[tilespmem:$0x14400] =	vst v63  }
0xfc: {  	_ = 	snop  }
0xfd: {  	[tilespmem:s20], [sflag:$0x1] =	stream.indirect.gather [hbm4b:s12+s13], $0x40, s15, s13, $0xb8;
	[tilespmem:$0x14400] =	vst v63  }
0xfe: {  	_ = 	snop  }
0xff: {  	[tilespmem:s22], [sflag:$0x1] =	stream.indirect.gather [hbm4b:s8+s13], $0x10, s16, s13, $0xb8;
	[tilespmem:$0x14400] =	vst v63  }
0x100: {  	_ = 	snop  }
0x101: {  	[tilespmem:s23], [sflag:$0x1] =	stream.indirect.gather [hbm4b:s9+s13], $0x10, s17, s13, $0xb8;
	[tilespmem:$0x14400] =	vst v63  }
0x102: {  	_ = 	snop  }
0x103: {  	[tilespmem:s24], [sflag:$0x1] =	stream.indirect.gather [hbm4b:s11+s13], $0x40, s16, s13, $0xb8;
	[tilespmem:$0x14400] =	vst v63  }
0x104: {  	_ = 	snop  }
0x105: {  	[tilespmem:s25], [sflag:$0x1] =	stream.indirect.gather [hbm4b:s12+s13], $0x40, s17, s13, $0xb8;
	[tilespmem:$0x14400] =	vst v63  }
0x106: {  	_ = 	snop  }
0x107: {  	[tilespmem:s28], [sflag:$0x1] =	stream.indirect.gather [hbm4b:s8+s13], $0x10, s21, s13, $0xb8;
	[tilespmem:$0x14400] =	vst v63  }
0x108: {  	_ = 	snop  }
0x109: {  	[tilespmem:s29], [sflag:$0x1] =	stream.indirect.gather [hbm4b:s9+s13], $0x10, s26, s13, $0xb8;
	[tilespmem:$0x14400] =	vst v63  }
0x10a: {  	_ = 	snop  }
0x10b: {  	[tilespmem:s30], [sflag:$0x1] =	stream.indirect.gather [hbm4b:s11+s13], $0x40, s21, s13, $0xb8;
	[tilespmem:$0x14400] =	vst v63  }
0x10c: {  	_ = 	snop  }
0x10d: {  	[tilespmem:s31], [sflag:$0x1] =	stream.indirect.gather [hbm4b:s12+s13], $0x40, s26, s13, $0xb8;
	[tilespmem:$0x14400] =	vst v63  }
0x10e: {  	_ =	swait.ge [sflag:s10], $0x800  }
0x10f: {  	[sflag:s10] =	ssyncset.done $0x0  }
0x110: {  	[sflag:s10] =	ssyncadd.s32 $0xFFFFF800  }
0x111: {  	_ =	swait.ge [sflag:s10], $0x800  }
0x112: {  	[sflag:s10] =	ssyncset.done $0x0  }
0x113: {  	[sflag:s10] =	ssyncadd.s32 $0xFFFFF800  }
0x114: {  	_ =	swait.ge [sflag:s10], $0x2000  }
0x115: {  	[sflag:s10] =	ssyncset.done $0x0  }
0x116: {  	[sflag:s10] =	ssyncadd.s32 $0xFFFFE000  }
0x117: {  	_ =	swait.ge [sflag:s10], $0x2000  }
0x118: {  	[sflag:s10] =	ssyncset.done $0x0  }
0x119: {  	[sflag:s10] =	ssyncadd.s32 $0xFFFFE000  }
0x11a: {  	_ =	swait.ge [sflag:s10], $0x800  }
0x11b: {  	[sflag:s10] =	ssyncset.done $0x0  }
0x11c: {  	[sflag:s10] =	ssyncadd.s32 $0xFFFFF800  }
0x11d: {  	_ =	swait.ge [sflag:s10], $0x800  }
0x11e: {  	[sflag:s10] =	ssyncset.done $0x0  }
0x11f: {  	[sflag:s10] =	ssyncadd.s32 $0xFFFFF800  }
0x120: {  	_ =	swait.ge [sflag:s10], $0x2000  }
0x121: {  	[sflag:s10] =	ssyncset.done $0x0  }
0x122: {  	[sflag:s10] =	ssyncadd.s32 $0xFFFFE000  }
0x123: {  	_ =	swait.ge [sflag:s10], $0x2000  }
0x124: {  	[sflag:s10] =	ssyncset.done $0x0  }
0x125: {  	[sflag:s10] =	ssyncadd.s32 $0xFFFFE000  }
0x126: {  	_ =	swait.ge [sflag:s10], $0x800  }
0x127: {  	[sflag:s10] =	ssyncset.done $0x0  }
0x128: {  	[sflag:s10] =	ssyncadd.s32 $0xFFFFF800  }
0x129: {  	_ =	swait.ge [sflag:s10], $0x800  }
0x12a: {  	[sflag:s10] =	ssyncset.done $0x0  }
0x12b: {  	[sflag:s10] =	ssyncadd.s32 $0xFFFFF800  }
0x12c: {  	_ =	swait.ge [sflag:s10], $0x2000  }
0x12d: {  	[sflag:s10] =	ssyncset.done $0x0  }
0x12e: {  	[sflag:s10] =	ssyncadd.s32 $0xFFFFE000  }
0x12f: {  	_ =	swait.ge [sflag:s10], $0x2000  }
0x130: {  	[sflag:s10] =	ssyncset.done $0x0  }
0x131: {  	[sflag:s10] =	ssyncadd.s32 $0xFFFFE000  }
0x132: {  	_ =	swait.ge [sflag:s10], $0x800  }
0x133: {  	[sflag:s10] =	ssyncset.done $0x0  }
0x134: {  	[sflag:s10] =	ssyncadd.s32 $0xFFFFF800  }
0x135: {  	_ =	swait.ge [sflag:s10], $0x800  }
0x136: {  	[sflag:s10] =	ssyncset.done $0x0  }
0x137: {  	[sflag:s10] =	ssyncadd.s32 $0xFFFFF800  }
0x138: {  	_ =	swait.ge [sflag:s10], $0x2000  }
0x139: {  	[sflag:s10] =	ssyncset.done $0x0  }
0x13a: {  	[sflag:s10] =	ssyncadd.s32 $0xFFFFE000  }
0x13b: {  	_ =	swait.ge [sflag:s10], $0x2000  }
0x13c: {  	[sflag:s10] =	ssyncset.done $0x0  }
0x13d: {  	s26 =	rddreg [dreg:$0x6];
	[sflag:s10] =	ssyncadd.s32 $0xFFFFE000  }
0x13e: {  	[hbm4b:s26+s2] =	stream.linear.scatter [tilespmem:s7], [sflag:$0x2], $0x2000, $0x38;
	[tilespmem:$0x14400] =	vst v63  }
0x13f: {  	_ =	swait.ge [sflag:s3], $0x2000  }
0x140: {  	[sflag:s3] =	ssyncset.done $0x0  }
0x141: {  	s28 =	rddreg [dreg:$0x7];
	[sflag:s3] =	ssyncadd.s32 $0xFFFFE000  }
0x142: {  	[hbm4b:s28+s2] =	stream.linear.scatter [tilespmem:s6], [sflag:$0x2], $0x2000, $0x38;
	[tilespmem:$0x14400] =	vst v63  }
0x143: {  	_ =	swait.ge [sflag:s3], $0x2000  }
0x144: {  	[sflag:s3] =	ssyncset.done $0x0  }
0x145: {  	s29 =	rddreg [dreg:$0x8];
	[sflag:s3] =	ssyncadd.s32 $0xFFFFE000  }
0x146: {  	[hbm4b:s29+s2] =	stream.linear.scatter [tilespmem:s5], [sflag:$0x2], $0x8000, $0x38;
	[tilespmem:$0x14400] =	vst v63  }
0x147: {  	_ =	swait.ge [sflag:s3], $0x8000  }
0x148: {  	[sflag:s3] =	ssyncset.done $0x0  }
0x149: {  	s30 =	rddreg [dreg:$0x9];
	[sflag:s3] =	ssyncadd.s32 $0xFFFF8000  }
0x14a: {  	[hbm4b:s30+s2] =	stream.linear.scatter [tilespmem:s4], [sflag:$0x2], $0x8000, $0x38;
	[tilespmem:$0x14400] =	vst v63  }
0x14b: {  	_ =	swait.ge [sflag:s3], $0x8000  }
0x14c: {  	[sflag:s3] =	ssyncset.done $0x0  }
0x14d: {  	[sflag:s3] =	ssyncadd.s32 $0xFFFF8000  }
0x14e: {  	_ =	sfence.sel $0x180000  }
0x14f: {  	[bflag:$0x0] =	sbarrier.arrive $0xFFFF  }
0x150: {  	_ =	strace $0x90000047  }
0x151: {  	s31 =	stileid.u32;
	[bflag:$0x2] =	sbarrier.arrive $0xFFFF  }
0x152: {  	p0 =	sne.s32 s31, $0x0;
	s0 =	rddreg [dreg:$0x3]  }
0x153: {  	s0 =	sadd.s32 @!p0 $0x100000, s0  }
0x154: {  	[sflag:s0] =	ssyncadd.tile.s32 @!p0 $0x1;
	_ =	shalt  }
.Lfunc_end2:
_tile_overlayer_lowered:
.L_overlay_start_2:
0x155: {  	(tag) =	ssettag $0x2  }
0x156: {  	s0 =	rddreg [dreg:$0x0];
	s2 =	stileid.u32  }
0x157: {  	s1 =	rddreg [dreg:$0x1];
	p0 =	sne.s32 s2, $0x0  }
0x158: {  	s3 =	rddreg [dreg:$0x2];
	[bflag:$0x3] =	sbarrier.arrive $0xFFFF;
	s2 =	simm.s32 @!p0 $0x1C02  }
0x159: {  	[timem:s3], [sflag:s2] =	dma.local @!p0 [hbm:s0], s1  }
0x15a: {  	s0 =	simm.s32 @!p0 $0x2  }
0x15b: {  	_ =	swait.ge @!p0 [sflag:s0], s1  }
0x15c: {  	s1 =	ssub.s32 @!p0 $0x0, s1;
	[sflag:s0] =	ssyncset.done @!p0 $0x0  }
0x15d: {  	[sflag:s0] =	ssyncadd.s32 @!p0 s1  }
0x15e: {  	[bflag:$0x3] =	sbarrier.arrive $0xFFFF  }
0x15f: {  	_ =	shalt  }

</sc_bundles>
